<compile_context>
chip_gen: v7x
topology: tpu7x:2x2x1
jax: 0.10.2.dev20260603
libtpu: 0.0.44.dev20260713+nightly
codegen_flags: <defaults>
</compile_context>

<pallas_src>
import functools

import jax
import jax.numpy as jnp
from jax import lax
from jax.experimental import pallas as pl
from jax.experimental.pallas import tpu as pltpu
from jax.experimental.pallas import tpu_sc as plsc

N = 10000
NP = 10240
D = 256
H = 256
E = 160000

NC = 2
NS = 16
EW = E // NS
NQ = 4
QW = 2 * H // NQ
NPASS = NQ // NC
CHUNK = 64
NCHUNK = EW // CHUNK
REM = EW - NCHUNK * CHUNK
RPT = NP // NS
BLK = 256


def _pre_linear(xp, wcat, bcat):

    def body(x_ref, w_ref, b_ref, o_ref):
        acc = lax.dot_general(x_ref[...], w_ref[...],
                              (((1,), (1,)), ((), ())),
                              preferred_element_type=jnp.float32)
        y = jnp.maximum(acc + b_ref[...], 0.0)
        for q in range(NQ):
            o_ref[q] = y[:, q * QW:(q + 1) * QW]

    return pl.pallas_call(
        body,
        grid=(NP // BLK,),
        in_specs=[
            pl.BlockSpec((BLK, D), lambda i: (i, 0)),
            pl.BlockSpec((2 * H, D), lambda i: (0, 0)),
            pl.BlockSpec((1, 2 * H), lambda i: (0, 0)),
        ],
        out_specs=pl.BlockSpec((NQ, BLK, QW), lambda i: (0, i, 0)),
        out_shape=jax.ShapeDtypeStruct((NQ, NP, QW), jnp.float32),
    )(xp, wcat, bcat)


def _sc_segment_sum(yq, row, col, zrows):
    mesh = plsc.VectorSubcoreMesh(core_axis_name="c", subcore_axis_name="s")

    @functools.partial(
        pl.kernel,
        out_type=jax.ShapeDtypeStruct((NQ * NP, QW), jnp.float32),
        mesh=mesh,
        scratch_types=[
            pltpu.VMEM((EW,), jnp.int32),
            pltpu.VMEM((EW,), jnp.int32),
            pltpu.VMEM((CHUNK,), jnp.int32),
            pltpu.VMEM((CHUNK,), jnp.int32),
            pltpu.VMEM((CHUNK, QW), jnp.float32),
            pltpu.VMEM((CHUNK,), jnp.int32),
            pltpu.VMEM((CHUNK,), jnp.int32),
            pltpu.VMEM((CHUNK, QW), jnp.float32),
            pltpu.VMEM_SHARED((NP, QW), jnp.float32),
            pltpu.SemaphoreType.DMA,
            pltpu.SemaphoreType.DMA,
        ],
    )
    def k(y_hbm, row_hbm, col_hbm, z_hbm, out_hbm,
          row_v, col_v, gidx_a, cidx_a, rows_a, gidx_b, cidx_b, rows_b,
          acc_sh, sem_a, sem_b):
        cid = lax.axis_index("c")
        sid = lax.axis_index("s")
        pltpu.sync_copy(row_hbm.at[pl.ds(sid * EW, EW)], row_v)
        pltpu.sync_copy(col_hbm.at[pl.ds(sid * EW, EW)], col_v)
        for p in range(NPASS):
            qoff = (p * NC + cid) * NP

            def build(ck, gidx, cidx):
                eb = ck * CHUNK
                for v in range(CHUNK // 16):
                    gidx[pl.ds(v * 16, 16)] = (
                        row_v[pl.ds(eb + v * 16, 16)] + qoff)
                    cidx[pl.ds(v * 16, 16)] = col_v[pl.ds(eb + v * 16, 16)]

            def start(gidx, rows, sem):
                pltpu.async_copy(y_hbm.at[gidx], rows, sem)

            def wait(gidx, rows, sem):
                pltpu.make_async_copy(y_hbm.at[gidx], rows, sem).wait()

            def scatter(rows, cidx):
                pltpu.sync_copy(rows, acc_sh.at[cidx], add=True)

            pltpu.sync_copy(z_hbm.at[pl.ds(sid * RPT, RPT)],
                            acc_sh.at[pl.ds(sid * RPT, RPT)])
            plsc.subcore_barrier()

            build(0, gidx_a, cidx_a)
            start(gidx_a, rows_a, sem_a)

            def pair_body(kk, _):
                build(2 * kk + 1, gidx_b, cidx_b)
                start(gidx_b, rows_b, sem_b)
                wait(gidx_a, rows_a, sem_a)
                scatter(rows_a, cidx_a)

                @pl.when(kk < NCHUNK // 2 - 1)
                def _():
                    build(2 * kk + 2, gidx_a, cidx_a)
                    start(gidx_a, rows_a, sem_a)

                wait(gidx_b, rows_b, sem_b)
                scatter(rows_b, cidx_b)
                return 0

            lax.fori_loop(0, NCHUNK // 2, pair_body, 0)
            rr = row_v[pl.ds(NCHUNK * CHUNK, REM)] + qoff
            cc = col_v[pl.ds(NCHUNK * CHUNK, REM)]
            rem_v = rows_a.at[pl.ds(0, REM)]
            pltpu.async_copy(y_hbm.at[rr], rem_v, sem_a).wait()
            pltpu.sync_copy(rem_v, acc_sh.at[cc], add=True)
            plsc.subcore_barrier()
            pltpu.sync_copy(acc_sh.at[pl.ds(sid * RPT, RPT)],
                            out_hbm.at[pl.ds(qoff + sid * RPT, RPT)])
            plsc.subcore_barrier()

    return k(yq, row, col, zrows)


def _post(xa0, xa1, xc0, xc1, xp, hap, hcp,
          wih_a, bih_a, whh_a, bhh_a, wih_c, bih_c, whh_c, bhh_c,
          h2g_a, bh2g_a, h2g_c, bh2g_c, g2a_a, g2a_c, misc):
    nblk = NP // BLK

    def body(xa0_ref, xa1_ref, xc0_ref, xc1_ref, x_ref, ha_ref, hc_ref,
             wiha_r, biha_r, whha_r, bhha_r, wihc_r, bihc_r, whhc_r, bhhc_r,
             h2ga_r, bh2ga_r, h2gc_r, bh2gc_r, g2aa_r, g2ac_r, misc_r,
             a_ref, hna_ref, hnc_ref, v_ref, pooled):
        i = pl.program_id(0)
        x = x_ref[...]
        xt_a = jnp.concatenate([xa0_ref[...], xa1_ref[...]], axis=1)
        xt_c = jnp.concatenate([xc0_ref[...], xc1_ref[...]], axis=1)

        def mm(a, b):
            return lax.dot_general(a.astype(jnp.bfloat16),
                                   b.astype(jnp.bfloat16),
                                   (((1,), (1,)), ((), ())),
                                   preferred_element_type=jnp.float32)

        def gru(xt_b, h, wih, bih, whh, bhh):
            gi = mm(xt_b, wih) + bih
            gh = mm(h, whh) + bhh
            r = jax.nn.sigmoid(gi[:, :H] + gh[:, :H])
            z = jax.nn.sigmoid(gi[:, H:2 * H] + gh[:, H:2 * H])
            n = jnp.tanh(gi[:, 2 * H:] + r * gh[:, 2 * H:])
            return (1.0 - z) * n + z * h

        hn_a = gru(xt_a, ha_ref[...], wiha_r[...], biha_r[...],
                   whha_r[...], bhha_r[...])
        hn_c = gru(xt_c, hc_ref[...], wihc_r[...], bihc_r[...],
                   whhc_r[...], bhhc_r[...])
        hna_ref[...] = hn_a
        hnc_ref[...] = hn_c
        g_a = jnp.maximum(mm(hn_a, h2ga_r[...]) + bh2ga_r[...], 0.0)
        g_c = jnp.maximum(mm(hn_c, h2gc_r[...]) + bh2gc_r[...], 0.0)
        cat_a = jnp.concatenate([x, g_a], axis=1)
        cat_c = jnp.concatenate([x, g_c], axis=1)
        t = jnp.sum(cat_a * g2aa_r[...], axis=1) + misc_r[0, 0]
        a_ref[...] = jnp.maximum(t, 0.0) + jnp.log1p(jnp.exp(-jnp.abs(t)))
        valid = (i * BLK + lax.broadcasted_iota(jnp.int32, (BLK, 1), 0)) < N
        part = jnp.sum(jnp.where(valid, cat_c, 0.0), axis=0, keepdims=True)

        @pl.when(i == 0)
        def _():
            pooled[...] = part

        @pl.when(i > 0)
        def _():
            pooled[...] = pooled[...] + part

        @pl.when(i == nblk - 1)
        def _():
            v = jnp.sum(pooled[...] * g2ac_r[...]) + misc_r[0, 1]
            v_ref[...] = jnp.full((1, 128), v, jnp.float32)

    full = lambda i: (0, 0)
    blk2 = lambda i: (i, 0)
    return pl.pallas_call(
        body,
        grid=(nblk,),
        in_specs=[
            pl.BlockSpec((BLK, QW), blk2),
            pl.BlockSpec((BLK, QW), blk2),
            pl.BlockSpec((BLK, QW), blk2),
            pl.BlockSpec((BLK, QW), blk2),
            pl.BlockSpec((BLK, D), blk2),
            pl.BlockSpec((BLK, H), blk2),
            pl.BlockSpec((BLK, H), blk2),
            pl.BlockSpec((3 * H, H), full), pl.BlockSpec((1, 3 * H), full),
            pl.BlockSpec((3 * H, H), full), pl.BlockSpec((1, 3 * H), full),
            pl.BlockSpec((3 * H, H), full), pl.BlockSpec((1, 3 * H), full),
            pl.BlockSpec((3 * H, H), full), pl.BlockSpec((1, 3 * H), full),
            pl.BlockSpec((H, H), full), pl.BlockSpec((1, H), full),
            pl.BlockSpec((H, H), full), pl.BlockSpec((1, H), full),
            pl.BlockSpec((1, D + H), full),
            pl.BlockSpec((1, D + H), full),
            pl.BlockSpec((1, 128), full),
        ],
        out_specs=[
            pl.BlockSpec((BLK,), lambda i: (i,)),
            pl.BlockSpec((BLK, H), blk2),
            pl.BlockSpec((BLK, H), blk2),
            pl.BlockSpec((1, 128), full),
        ],
        out_shape=[
            jax.ShapeDtypeStruct((NP,), jnp.float32),
            jax.ShapeDtypeStruct((NP, H), jnp.float32),
            jax.ShapeDtypeStruct((NP, H), jnp.float32),
            jax.ShapeDtypeStruct((1, 128), jnp.float32),
        ],
        scratch_shapes=[pltpu.VMEM((1, D + H), jnp.float32)],
    )(xa0, xa1, xc0, xc1, xp, hap, hcp,
      wih_a, bih_a, whh_a, bhh_a, wih_c, bih_c, whh_c, bhh_c,
      h2g_a, bh2g_a, h2g_c, bh2g_c, g2a_a, g2a_c, misc)


def kernel(x, edge_index, h_a, h_c, params, jitter):
    pa, pc = params['actor'], params['critic']
    row = edge_index[0].astype(jnp.int32)
    col = edge_index[1].astype(jnp.int32)
    pad = lambda a: jnp.pad(a, ((0, NP - N), (0, 0)))
    xp, hap, hcp = pad(x), pad(h_a), pad(h_c)

    wcat = jnp.concatenate([pa['lin1_w'], pc['lin1_w']], axis=0)
    bcat = jnp.concatenate([pa['lin1_b'], pc['lin1_b']]).reshape(1, 2 * H)
    y4 = _pre_linear(xp, wcat, bcat)

    zrows = jnp.zeros((NP, QW), jnp.float32)
    xtq = _sc_segment_sum(y4.reshape(NQ * NP, QW), row, col, zrows)

    misc = jnp.zeros((1, 128), jnp.float32)
    misc = misc.at[0, 0].set(pa['g2a_b'][0]).at[0, 1].set(pc['g2a_b'][0])
    a_flat, hna, hnc, vpad = _post(
        xtq[:NP], xtq[NP:2 * NP], xtq[2 * NP:3 * NP], xtq[3 * NP:],
        xp, hap, hcp,
        pa['w_ih'], pa['b_ih'].reshape(1, -1), pa['w_hh'], pa['b_hh'].reshape(1, -1),
        pc['w_ih'], pc['b_ih'].reshape(1, -1), pc['w_hh'], pc['b_hh'].reshape(1, -1),
        pa['h2g_w'], pa['h2g_b'].reshape(1, -1), pc['h2g_w'], pc['h2g_b'].reshape(1, -1),
        pa['g2a_w'], pc['g2a_w'], misc)

    a_probs = a_flat[:N].reshape(N, 1) + jitter
    value = vpad[0, :1]
    return a_probs, value, hna[:N], hnc[:N]

# --- scband reference (transcript-rebuilt; emitter-appended) ---
"""Pipeline reference for scband-a2-c-7928509629009 (READ-ONLY COPY).

The authoritative reference and input builder live on the scoring server;
editing this copy changes nothing except your own understanding.
"""

import jax, jax.numpy as jnp
import numpy as np

N = 10000
E = 160000
D = 256
H = 256


def _linear_params(key, out_dim, in_dim):
    kw, kb = jax.random.split(key)
    bound = 1.0 / np.sqrt(in_dim)
    W = jax.random.uniform(kw, (out_dim, in_dim), jnp.float32, -bound, bound)
    b = jax.random.uniform(kb, (out_dim,), jnp.float32, -bound, bound)
    return W, b


def _branch_params(key):
    ks = jax.random.split(key, 6)
    lin1_w, lin1_b = _linear_params(ks[0], H, D)
    w_ih, b_ih = _linear_params(ks[1], 3 * H, H)
    w_hh, b_hh = _linear_params(ks[2], 3 * H, H)
    h2g_w, h2g_b = _linear_params(ks[3], H, H)
    g2a_w, g2a_b = _linear_params(ks[4], 1, D + H)
    return {
        'lin1_w': lin1_w, 'lin1_b': lin1_b,
        'w_ih': w_ih, 'b_ih': b_ih,
        'w_hh': w_hh, 'b_hh': b_hh,
        'h2g_w': h2g_w, 'h2g_b': h2g_b,
        'g2a_w': g2a_w, 'g2a_b': g2a_b,
    }


def setup_inputs(seed: int = 0) -> dict:
    key = jax.random.key(seed)
    ks = jax.random.split(key, 8)
    x = jax.random.normal(ks[0], (N, D), jnp.float32)
    edge_index = jax.random.randint(ks[1], (2, E), 0, N, dtype=jnp.int64)
    h_a = jax.random.normal(ks[2], (N, H), jnp.float32)
    h_c = jax.random.normal(ks[3], (N, H), jnp.float32)
    params = {'actor': _branch_params(ks[4]), 'critic': _branch_params(ks[5])}
    jitter = jnp.asarray(1e-20, jnp.float32)
    return {'x': x, 'edge_index': edge_index, 'h_a': h_a, 'h_c': h_c, 'params': params, 'jitter': jitter}


def _gru_cell(x, h, w_ih, b_ih, w_hh, b_hh):
    gi = x @ w_ih.T + b_ih
    gh = h @ w_hh.T + b_hh
    i_r, i_z, i_n = jnp.split(gi, 3, axis=1)
    h_r, h_z, h_n = jnp.split(gh, 3, axis=1)
    r = jax.nn.sigmoid(i_r + h_r)
    z = jax.nn.sigmoid(i_z + h_z)
    n = jnp.tanh(i_n + r * h_n)
    return (1.0 - z) * n + z * h


def _actor(p, x, edge_index, h):
    row, col = edge_index[0], edge_index[1]
    xt = x[row]
    xt = jax.nn.relu(xt @ p['lin1_w'].T + p['lin1_b'])
    xt = jax.ops.segment_sum(xt, col, num_segments=x.shape[0])
    h_new = _gru_cell(xt, h, p['w_ih'], p['b_ih'], p['w_hh'], p['b_hh'])
    g = jax.nn.relu(h_new @ p['h2g_w'].T + p['h2g_b'])
    cat = jnp.concatenate([x, g], axis=1)
    a = jax.nn.softplus(cat @ p['g2a_w'].T + p['g2a_b'])
    return a, h_new


def _critic(p, x, edge_index, h):
    row, col = edge_index[0], edge_index[1]
    xt = x[row]
    xt = jax.nn.relu(xt @ p['lin1_w'].T + p['lin1_b'])
    xt = jax.ops.segment_sum(xt, col, num_segments=x.shape[0])
    h_new = _gru_cell(xt, h, p['w_ih'], p['b_ih'], p['w_hh'], p['b_hh'])
    g = jax.nn.relu(h_new @ p['h2g_w'].T + p['h2g_b'])
    cat = jnp.concatenate([x, g], axis=1)
    pooled = jnp.sum(cat, axis=0)
    v = pooled @ p['g2a_w'].T + p['g2a_b']
    return v, h_new


def reference(x, edge_index, h_a, h_c, params, jitter=1e-20):
    a_probs, h_a_new = _actor(params['actor'], x, edge_index, h_a)
    value, h_c_new = _critic(params['critic'], x, edge_index, h_c)
    return a_probs + jitter, value, h_a_new, h_c_new

if __name__ == "__main__":
    import jax
    _d = setup_inputs()
    print(jax.jit(kernel)(*tuple(_d.values())))

</pallas_src>

<mosaic_0001>
#map = affine_map<(d0, d1) -> (0, 0)>
#map1 = affine_map<(d0, d1) -> (0)>
module attributes {stable_mosaic.version = 14 : i64} {
  func.func @k(%arg0: i32, %arg1: i32, %arg2: memref<40960x128xf32, #tpu.memory_space<hbm>>, %arg3: memref<160000xi32, #tpu.memory_space<hbm>>, %arg4: memref<160000xi32, #tpu.memory_space<hbm>>, %arg5: memref<10240x128xf32, #tpu.memory_space<hbm>>, %arg6: memref<40960x128xf32, #tpu.memory_space<hbm>>, %arg7: memref<10000xi32, #tpu.memory_space<vmem>>, %arg8: memref<10000xi32, #tpu.memory_space<vmem>>, %arg9: memref<64xi32, #tpu.memory_space<vmem>>, %arg10: memref<64xi32, #tpu.memory_space<vmem>>, %arg11: memref<64x128xf32, #tpu.memory_space<vmem>>, %arg12: memref<64xi32, #tpu.memory_space<vmem>>, %arg13: memref<64xi32, #tpu.memory_space<vmem>>, %arg14: memref<64x128xf32, #tpu.memory_space<vmem>>, %arg15: memref<10240x128xf32, #tpu.memory_space<vmem_shared>>, %arg16: memref<!tpu.dma_semaphore, #tpu.memory_space<semaphore_mem>>, %arg17: memref<!tpu.dma_semaphore, #tpu.memory_space<semaphore_mem>>) attributes {dimension_semantics = [#tpu.dimension_semantics<core_parallel>, #tpu.dimension_semantics<subcore_parallel>], iteration_bounds = array<i64: 2, 16>, scalar_prefetch = 0 : i64, scratch_operands = 11 : i64, tpu.core_type = #tpu.core_type<sc_vector_subcore>, window_params = [{transform_indices = #map}, {transform_indices = #map1}, {transform_indices = #map1}, {transform_indices = #map}, {transform_indices = #map}]} {
    %mul3A = arith.constant 10000 : i32
    %mul3A_0 = arith.muli %arg1, %mul3A : i32
    "tpu.region"() ({
      %run_scoped3A = tpu.sem_alloc : memref<!tpu.dma_semaphore, #tpu.memory_space<semaphore_mem>>
      %dma_start3A_216 = tpu.memref_slice %arg3[%mul3A_0] : memref<160000xi32, #tpu.memory_space<hbm>> -> memref<10000xi32, #tpu.memory_space<hbm>>
      %dma_start3A_217 = tpu.memref_slice %arg3[%mul3A_0] : memref<160000xi32, #tpu.memory_space<hbm>> -> memref<10000xi32, #tpu.memory_space<hbm>>
      tpu.enqueue_dma source(%dma_start3A_217 : memref<10000xi32, #tpu.memory_space<hbm>>) target(%arg7 : memref<10000xi32, #tpu.memory_space<vmem>>) target_semaphore(%run_scoped3A : memref<!tpu.dma_semaphore, #tpu.memory_space<semaphore_mem>>)
      %dma_wait3A_218 = tpu.memref_slice %arg3[%mul3A_0] : memref<160000xi32, #tpu.memory_space<hbm>> -> memref<10000xi32, #tpu.memory_space<hbm>>
      %dma_wait3A_219 = tpu.memref_slice %arg3[%mul3A_0] : memref<160000xi32, #tpu.memory_space<hbm>> -> memref<10000xi32, #tpu.memory_space<hbm>>
      tpu.wait_dma2 semaphore(%run_scoped3A : memref<!tpu.dma_semaphore, #tpu.memory_space<semaphore_mem>>) src(%dma_wait3A_219 : memref<10000xi32, #tpu.memory_space<hbm>>) dst(%arg7 : memref<10000xi32, #tpu.memory_space<vmem>>)
      tpu.yield
    }) : () -> ()
    %mul3A_1 = arith.constant 10000 : i32
    %mul3A_2 = arith.muli %arg1, %mul3A_1 : i32
    "tpu.region"() ({
      %run_scoped3A = tpu.sem_alloc : memref<!tpu.dma_semaphore, #tpu.memory_space<semaphore_mem>>
      %dma_start3A_216 = tpu.memref_slice %arg4[%mul3A_2] : memref<160000xi32, #tpu.memory_space<hbm>> -> memref<10000xi32, #tpu.memory_space<hbm>>
      %dma_start3A_217 = tpu.memref_slice %arg4[%mul3A_2] : memref<160000xi32, #tpu.memory_space<hbm>> -> memref<10000xi32, #tpu.memory_space<hbm>>
      tpu.enqueue_dma source(%dma_start3A_217 : memref<10000xi32, #tpu.memory_space<hbm>>) target(%arg8 : memref<10000xi32, #tpu.memory_space<vmem>>) target_semaphore(%run_scoped3A : memref<!tpu.dma_semaphore, #tpu.memory_space<semaphore_mem>>)
      %dma_wait3A_218 = tpu.memref_slice %arg4[%mul3A_2] : memref<160000xi32, #tpu.memory_space<hbm>> -> memref<10000xi32, #tpu.memory_space<hbm>>
      %dma_wait3A_219 = tpu.memref_slice %arg4[%mul3A_2] : memref<160000xi32, #tpu.memory_space<hbm>> -> memref<10000xi32, #tpu.memory_space<hbm>>
      tpu.wait_dma2 semaphore(%run_scoped3A : memref<!tpu.dma_semaphore, #tpu.memory_space<semaphore_mem>>) src(%dma_wait3A_219 : memref<10000xi32, #tpu.memory_space<hbm>>) dst(%arg8 : memref<10000xi32, #tpu.memory_space<vmem>>)
      tpu.yield
    }) : () -> ()
    %add3A = arith.constant 0 : i32
    %add3A_3 = arith.addi %add3A, %arg0 : i32
    %mul3A_4 = arith.constant 10240 : i32
    %mul3A_5 = arith.muli %add3A_3, %mul3A_4 : i32
    %mul3A_6 = arith.constant 640 : i32
    %mul3A_7 = arith.muli %arg1, %mul3A_6 : i32
    %mul3A_8 = arith.constant 640 : i32
    %mul3A_9 = arith.muli %arg1, %mul3A_8 : i32
    "tpu.region"() ({
      %run_scoped3A = tpu.sem_alloc : memref<!tpu.dma_semaphore, #tpu.memory_space<semaphore_mem>>
      %dma_start3A_216 = arith.constant 0 : i32
      %dma_start3A_217 = tpu.memref_slice %arg15[%mul3A_9, %dma_start3A_216] : memref<10240x128xf32, #tpu.memory_space<vmem_shared>> -> memref<640x128xf32, #tpu.memory_space<vmem_shared>>
      %dma_start3A_218 = arith.constant 0 : i32
      %dma_start3A_219 = tpu.memref_slice %arg5[%mul3A_7, %dma_start3A_218] : memref<10240x128xf32, #tpu.memory_space<hbm>> -> memref<640x128xf32, #tpu.memory_space<hbm>>
      tpu.enqueue_dma source(%dma_start3A_219 : memref<640x128xf32, #tpu.memory_space<hbm>>) target(%dma_start3A_217 : memref<640x128xf32, #tpu.memory_space<vmem_shared>>) target_semaphore(%run_scoped3A : memref<!tpu.dma_semaphore, #tpu.memory_space<semaphore_mem>>)
      %dma_wait3A_220 = arith.constant 0 : i32
      %dma_wait3A_221 = tpu.memref_slice %arg15[%mul3A_9, %dma_wait3A_220] : memref<10240x128xf32, #tpu.memory_space<vmem_shared>> -> memref<640x128xf32, #tpu.memory_space<vmem_shared>>
      %dma_wait3A_222 = arith.constant 0 : i32
      %dma_wait3A_223 = tpu.memref_slice %arg5[%mul3A_7, %dma_wait3A_222] : memref<10240x128xf32, #tpu.memory_space<hbm>> -> memref<640x128xf32, #tpu.memory_space<hbm>>
      tpu.wait_dma2 semaphore(%run_scoped3A : memref<!tpu.dma_semaphore, #tpu.memory_space<semaphore_mem>>) src(%dma_wait3A_223 : memref<640x128xf32, #tpu.memory_space<hbm>>) dst(%dma_wait3A_221 : memref<640x128xf32, #tpu.memory_space<vmem_shared>>)
      tpu.yield
    }) : () -> ()
    %barrier3A = arith.constant 0 : index
    tpu.barrier barrier_id(%barrier3A)
    %get3A = arith.constant 0 : index
    %get3A_10 = tpu.vector_load %arg7[%get3A] {strides = array<i32>} : memref<10000xi32, #tpu.memory_space<vmem>>, vector<16xi32>,
    %get3A_11 = vector.shape_cast %get3A_10 : vector<16xi32> to vector<16xi32>
    %add3A_12 = vector.broadcast %mul3A_5 : i32 to vector<16xi32>
    %add3A_13 = arith.addi %get3A_11, %add3A_12 : vector<16xi32>
    %swap3A = arith.constant 0 : index
    %swap3A_14 = tpu.vector_load %arg9[%swap3A] {strides = array<i32>} : memref<64xi32, #tpu.memory_space<vmem>>, vector<16xi32>,
    %swap3A_15 = vector.shape_cast %swap3A_14 : vector<16xi32> to vector<16xi32>
    %swap3A_16 = vector.shape_cast %add3A_13 : vector<16xi32> to vector<16xi32>
    tpu.vector_store %arg9[%swap3A], %swap3A_16 {strides = array<i32>} : memref<64xi32, #tpu.memory_space<vmem>>, vector<16xi32>,
    %get3A_17 = arith.constant 0 : index
    %get3A_18 = tpu.vector_load %arg8[%get3A_17] {strides = array<i32>} : memref<10000xi32, #tpu.memory_space<vmem>>, vector<16xi32>,
    %get3A_19 = vector.shape_cast %get3A_18 : vector<16xi32> to vector<16xi32>
    %swap3A_20 = arith.constant 0 : index
    %swap3A_21 = tpu.vector_load %arg10[%swap3A_20] {strides = array<i32>} : memref<64xi32, #tpu.memory_space<vmem>>, vector<16xi32>,
    %swap3A_22 = vector.shape_cast %swap3A_21 : vector<16xi32> to vector<16xi32>
    %swap3A_23 = vector.shape_cast %get3A_19 : vector<16xi32> to vector<16xi32>
    tpu.vector_store %arg10[%swap3A_20], %swap3A_23 {strides = array<i32>} : memref<64xi32, #tpu.memory_space<vmem>>, vector<16xi32>,
    %get3A_24 = arith.constant 16 : index
    %get3A_25 = tpu.vector_load %arg7[%get3A_24] {strides = array<i32>} : memref<10000xi32, #tpu.memory_space<vmem>>, vector<16xi32>,
    %get3A_26 = vector.shape_cast %get3A_25 : vector<16xi32> to vector<16xi32>
    %add3A_27 = vector.broadcast %mul3A_5 : i32 to vector<16xi32>
    %add3A_28 = arith.addi %get3A_26, %add3A_27 : vector<16xi32>
    %swap3A_29 = arith.constant 16 : index
    %swap3A_30 = tpu.vector_load %arg9[%swap3A_29] {strides = array<i32>} : memref<64xi32, #tpu.memory_space<vmem>>, vector<16xi32>,
    %swap3A_31 = vector.shape_cast %swap3A_30 : vector<16xi32> to vector<16xi32>
    %swap3A_32 = vector.shape_cast %add3A_28 : vector<16xi32> to vector<16xi32>
    tpu.vector_store %arg9[%swap3A_29], %swap3A_32 {strides = array<i32>} : memref<64xi32, #tpu.memory_space<vmem>>, vector<16xi32>,
    %get3A_33 = arith.constant 16 : index
    %get3A_34 = tpu.vector_load %arg8[%get3A_33] {strides = array<i32>} : memref<10000xi32, #tpu.memory_space<vmem>>, vector<16xi32>,
    %get3A_35 = vector.shape_cast %get3A_34 : vector<16xi32> to vector<16xi32>
    %swap3A_36 = arith.constant 16 : index
    %swap3A_37 = tpu.vector_load %arg10[%swap3A_36] {strides = array<i32>} : memref<64xi32, #tpu.memory_space<vmem>>, vector<16xi32>,
    %swap3A_38 = vector.shape_cast %swap3A_37 : vector<16xi32> to vector<16xi32>
    %swap3A_39 = vector.shape_cast %get3A_35 : vector<16xi32> to vector<16xi32>
    tpu.vector_store %arg10[%swap3A_36], %swap3A_39 {strides = array<i32>} : memref<64xi32, #tpu.memory_space<vmem>>, vector<16xi32>,
    %get3A_40 = arith.constant 32 : index
    %get3A_41 = tpu.vector_load %arg7[%get3A_40] {strides = array<i32>} : memref<10000xi32, #tpu.memory_space<vmem>>, vector<16xi32>,
    %get3A_42 = vector.shape_cast %get3A_41 : vector<16xi32> to vector<16xi32>
    %add3A_43 = vector.broadcast %mul3A_5 : i32 to vector<16xi32>
    %add3A_44 = arith.addi %get3A_42, %add3A_43 : vector<16xi32>
    %swap3A_45 = arith.constant 32 : index
    %swap3A_46 = tpu.vector_load %arg9[%swap3A_45] {strides = array<i32>} : memref<64xi32, #tpu.memory_space<vmem>>, vector<16xi32>,
    %swap3A_47 = vector.shape_cast %swap3A_46 : vector<16xi32> to vector<16xi32>
    %swap3A_48 = vector.shape_cast %add3A_44 : vector<16xi32> to vector<16xi32>
    tpu.vector_store %arg9[%swap3A_45], %swap3A_48 {strides = array<i32>} : memref<64xi32, #tpu.memory_space<vmem>>, vector<16xi32>,
    %get3A_49 = arith.constant 32 : index
    %get3A_50 = tpu.vector_load %arg8[%get3A_49] {strides = array<i32>} : memref<10000xi32, #tpu.memory_space<vmem>>, vector<16xi32>,
    %get3A_51 = vector.shape_cast %get3A_50 : vector<16xi32> to vector<16xi32>
    %swap3A_52 = arith.constant 32 : index
    %swap3A_53 = tpu.vector_load %arg10[%swap3A_52] {strides = array<i32>} : memref<64xi32, #tpu.memory_space<vmem>>, vector<16xi32>,
    %swap3A_54 = vector.shape_cast %swap3A_53 : vector<16xi32> to vector<16xi32>
    %swap3A_55 = vector.shape_cast %get3A_51 : vector<16xi32> to vector<16xi32>
    tpu.vector_store %arg10[%swap3A_52], %swap3A_55 {strides = array<i32>} : memref<64xi32, #tpu.memory_space<vmem>>, vector<16xi32>,
    %get3A_56 = arith.constant 48 : index
    %get3A_57 = tpu.vector_load %arg7[%get3A_56] {strides = array<i32>} : memref<10000xi32, #tpu.memory_space<vmem>>, vector<16xi32>,
    %get3A_58 = vector.shape_cast %get3A_57 : vector<16xi32> to vector<16xi32>
    %add3A_59 = vector.broadcast %mul3A_5 : i32 to vector<16xi32>
    %add3A_60 = arith.addi %get3A_58, %add3A_59 : vector<16xi32>
    %swap3A_61 = arith.constant 48 : index
    %swap3A_62 = tpu.vector_load %arg9[%swap3A_61] {strides = array<i32>} : memref<64xi32, #tpu.memory_space<vmem>>, vector<16xi32>,
    %swap3A_63 = vector.shape_cast %swap3A_62 : vector<16xi32> to vector<16xi32>
    %swap3A_64 = vector.shape_cast %add3A_60 : vector<16xi32> to vector<16xi32>
    tpu.vector_store %arg9[%swap3A_61], %swap3A_64 {strides = array<i32>} : memref<64xi32, #tpu.memory_space<vmem>>, vector<16xi32>,
    %get3A_65 = arith.constant 48 : index
    %get3A_66 = tpu.vector_load %arg8[%get3A_65] {strides = array<i32>} : memref<10000xi32, #tpu.memory_space<vmem>>, vector<16xi32>,
    %get3A_67 = vector.shape_cast %get3A_66 : vector<16xi32> to vector<16xi32>
    %swap3A_68 = arith.constant 48 : index
    %swap3A_69 = tpu.vector_load %arg10[%swap3A_68] {strides = array<i32>} : memref<64xi32, #tpu.memory_space<vmem>>, vector<16xi32>,
    %swap3A_70 = vector.shape_cast %swap3A_69 : vector<16xi32> to vector<16xi32>
    %swap3A_71 = vector.shape_cast %get3A_67 : vector<16xi32> to vector<16xi32>
    tpu.vector_store %arg10[%swap3A_68], %swap3A_71 {strides = array<i32>} : memref<64xi32, #tpu.memory_space<vmem>>, vector<16xi32>,
    %dma_start3A = arith.constant 0 : i32
    %dma_start3A_72 = arith.constant 0 : i32
    %dma_start3A_73 = tpu.memref_slice %arg2[%dma_start3A, %dma_start3A_72] : memref<40960x128xf32, #tpu.memory_space<hbm>> -> memref<40960x128xf32, #tpu.memory_space<hbm>>
    tpu.enqueue_indirect_dma source(%dma_start3A_73 : memref<40960x128xf32, #tpu.memory_space<hbm>>) target(%arg11 : memref<64x128xf32, #tpu.memory_space<vmem>>) offsets(%arg9 : memref<64xi32, #tpu.memory_space<vmem>>) semaphore(%arg16 : memref<!tpu.dma_semaphore, #tpu.memory_space<semaphore_mem>>)
    %scan3A = arith.constant 0 : i32
    %scan3A_74 = arith.constant 0 : i32
    %scan3A_75 = arith.constant 78 : i32
    %scan3A_76 = arith.addi %scan3A_74, %scan3A_75 : i32
    %scan3A_77 = arith.constant 1 : i32
    %scan3A_78 = scf.for %scan3A_216 = %scan3A_74 to %scan3A_76 step %scan3A_77 iter_args(%scan3A_217 = %scan3A) -> (i32)  : i32 {
      %mul3A_218 = arith.constant 2 : i32
      %mul3A_219 = arith.muli %mul3A_218, %scan3A_216 : i32
      %add3A_220 = arith.constant 1 : i32
      %add3A_221 = arith.addi %mul3A_219, %add3A_220 : i32
      %mul3A_222 = arith.constant 64 : i32
      %mul3A_223 = arith.muli %add3A_221, %mul3A_222 : i32
      %add3A_224 = arith.constant 0 : i32
      %add3A_225 = arith.addi %mul3A_223, %add3A_224 : i32
      %get3A_226 = arith.index_cast %add3A_225 : i32 to index
      %get3A_227 = tpu.vector_load %arg7[%get3A_226] {strides = array<i32>} : memref<10000xi32, #tpu.memory_space<vmem>>, vector<16xi32>,
      %get3A_228 = vector.shape_cast %get3A_227 : vector<16xi32> to vector<16xi32>
      %add3A_229 = vector.broadcast %mul3A_5 : i32 to vector<16xi32>
      %add3A_230 = arith.addi %get3A_228, %add3A_229 : vector<16xi32>
      %swap3A_231 = arith.constant 0 : index
      %swap3A_232 = tpu.vector_load %arg12[%swap3A_231] {strides = array<i32>} : memref<64xi32, #tpu.memory_space<vmem>>, vector<16xi32>,
      %swap3A_233 = vector.shape_cast %swap3A_232 : vector<16xi32> to vector<16xi32>
      %swap3A_234 = vector.shape_cast %add3A_230 : vector<16xi32> to vector<16xi32>
      tpu.vector_store %arg12[%swap3A_231], %swap3A_234 {strides = array<i32>} : memref<64xi32, #tpu.memory_space<vmem>>, vector<16xi32>,
      %add3A_235 = arith.constant 0 : i32
      %add3A_236 = arith.addi %mul3A_223, %add3A_235 : i32
      %get3A_237 = arith.index_cast %add3A_236 : i32 to index
      %get3A_238 = tpu.vector_load %arg8[%get3A_237] {strides = array<i32>} : memref<10000xi32, #tpu.memory_space<vmem>>, vector<16xi32>,
      %get3A_239 = vector.shape_cast %get3A_238 : vector<16xi32> to vector<16xi32>
      %swap3A_240 = arith.constant 0 : index
      %swap3A_241 = tpu.vector_load %arg13[%swap3A_240] {strides = array<i32>} : memref<64xi32, #tpu.memory_space<vmem>>, vector<16xi32>,
      %swap3A_242 = vector.shape_cast %swap3A_241 : vector<16xi32> to vector<16xi32>
      %swap3A_243 = vector.shape_cast %get3A_239 : vector<16xi32> to vector<16xi32>
      tpu.vector_store %arg13[%swap3A_240], %swap3A_243 {strides = array<i32>} : memref<64xi32, #tpu.memory_space<vmem>>, vector<16xi32>,
      %add3A_244 = arith.constant 16 : i32
      %add3A_245 = arith.addi %mul3A_223, %add3A_244 : i32
      %get3A_246 = arith.index_cast %add3A_245 : i32 to index
      %get3A_247 = tpu.vector_load %arg7[%get3A_246] {strides = array<i32>} : memref<10000xi32, #tpu.memory_space<vmem>>, vector<16xi32>,
      %get3A_248 = vector.shape_cast %get3A_247 : vector<16xi32> to vector<16xi32>
      %add3A_249 = vector.broadcast %mul3A_5 : i32 to vector<16xi32>
      %add3A_250 = arith.addi %get3A_248, %add3A_249 : vector<16xi32>
      %swap3A_251 = arith.constant 16 : index
      %swap3A_252 = tpu.vector_load %arg12[%swap3A_251] {strides = array<i32>} : memref<64xi32, #tpu.memory_space<vmem>>, vector<16xi32>,
      %swap3A_253 = vector.shape_cast %swap3A_252 : vector<16xi32> to vector<16xi32>
      %swap3A_254 = vector.shape_cast %add3A_250 : vector<16xi32> to vector<16xi32>
      tpu.vector_store %arg12[%swap3A_251], %swap3A_254 {strides = array<i32>} : memref<64xi32, #tpu.memory_space<vmem>>, vector<16xi32>,
      %add3A_255 = arith.constant 16 : i32
      %add3A_256 = arith.addi %mul3A_223, %add3A_255 : i32
      %get3A_257 = arith.index_cast %add3A_256 : i32 to index
      %get3A_258 = tpu.vector_load %arg8[%get3A_257] {strides = array<i32>} : memref<10000xi32, #tpu.memory_space<vmem>>, vector<16xi32>,
      %get3A_259 = vector.shape_cast %get3A_258 : vector<16xi32> to vector<16xi32>
      %swap3A_260 = arith.constant 16 : index
      %swap3A_261 = tpu.vector_load %arg13[%swap3A_260] {strides = array<i32>} : memref<64xi32, #tpu.memory_space<vmem>>, vector<16xi32>,
      %swap3A_262 = vector.shape_cast %swap3A_261 : vector<16xi32> to vector<16xi32>
      %swap3A_263 = vector.shape_cast %get3A_259 : vector<16xi32> to vector<16xi32>
      tpu.vector_store %arg13[%swap3A_260], %swap3A_263 {strides = array<i32>} : memref<64xi32, #tpu.memory_space<vmem>>, vector<16xi32>,
      %add3A_264 = arith.constant 32 : i32
      %add3A_265 = arith.addi %mul3A_223, %add3A_264 : i32
      %get3A_266 = arith.index_cast %add3A_265 : i32 to index
      %get3A_267 = tpu.vector_load %arg7[%get3A_266] {strides = array<i32>} : memref<10000xi32, #tpu.memory_space<vmem>>, vector<16xi32>,
      %get3A_268 = vector.shape_cast %get3A_267 : vector<16xi32> to vector<16xi32>
      %add3A_269 = vector.broadcast %mul3A_5 : i32 to vector<16xi32>
      %add3A_270 = arith.addi %get3A_268, %add3A_269 : vector<16xi32>
      %swap3A_271 = arith.constant 32 : index
      %swap3A_272 = tpu.vector_load %arg12[%swap3A_271] {strides = array<i32>} : memref<64xi32, #tpu.memory_space<vmem>>, vector<16xi32>,
      %swap3A_273 = vector.shape_cast %swap3A_272 : vector<16xi32> to vector<16xi32>
      %swap3A_274 = vector.shape_cast %add3A_270 : vector<16xi32> to vector<16xi32>
      tpu.vector_store %arg12[%swap3A_271], %swap3A_274 {strides = array<i32>} : memref<64xi32, #tpu.memory_space<vmem>>, vector<16xi32>,
      %add3A_275 = arith.constant 32 : i32
      %add3A_276 = arith.addi %mul3A_223, %add3A_275 : i32
      %get3A_277 = arith.index_cast %add3A_276 : i32 to index
      %get3A_278 = tpu.vector_load %arg8[%get3A_277] {strides = array<i32>} : memref<10000xi32, #tpu.memory_space<vmem>>, vector<16xi32>,
      %get3A_279 = vector.shape_cast %get3A_278 : vector<16xi32> to vector<16xi32>
      %swap3A_280 = arith.constant 32 : index
      %swap3A_281 = tpu.vector_load %arg13[%swap3A_280] {strides = array<i32>} : memref<64xi32, #tpu.memory_space<vmem>>, vector<16xi32>,
      %swap3A_282 = vector.shape_cast %swap3A_281 : vector<16xi32> to vector<16xi32>
      %swap3A_283 = vector.shape_cast %get3A_279 : vector<16xi32> to vector<16xi32>
      tpu.vector_store %arg13[%swap3A_280], %swap3A_283 {strides = array<i32>} : memref<64xi32, #tpu.memory_space<vmem>>, vector<16xi32>,
      %add3A_284 = arith.constant 48 : i32
      %add3A_285 = arith.addi %mul3A_223, %add3A_284 : i32
      %get3A_286 = arith.index_cast %add3A_285 : i32 to index
      %get3A_287 = tpu.vector_load %arg7[%get3A_286] {strides = array<i32>} : memref<10000xi32, #tpu.memory_space<vmem>>, vector<16xi32>,
      %get3A_288 = vector.shape_cast %get3A_287 : vector<16xi32> to vector<16xi32>
      %add3A_289 = vector.broadcast %mul3A_5 : i32 to vector<16xi32>
      %add3A_290 = arith.addi %get3A_288, %add3A_289 : vector<16xi32>
      %swap3A_291 = arith.constant 48 : index
      %swap3A_292 = tpu.vector_load %arg12[%swap3A_291] {strides = array<i32>} : memref<64xi32, #tpu.memory_space<vmem>>, vector<16xi32>,
      %swap3A_293 = vector.shape_cast %swap3A_292 : vector<16xi32> to vector<16xi32>
      %swap3A_294 = vector.shape_cast %add3A_290 : vector<16xi32> to vector<16xi32>
      tpu.vector_store %arg12[%swap3A_291], %swap3A_294 {strides = array<i32>} : memref<64xi32, #tpu.memory_space<vmem>>, vector<16xi32>,
      %add3A_295 = arith.constant 48 : i32
      %add3A_296 = arith.addi %mul3A_223, %add3A_295 : i32
      %get3A_297 = arith.index_cast %add3A_296 : i32 to index
      %get3A_298 = tpu.vector_load %arg8[%get3A_297] {strides = array<i32>} : memref<10000xi32, #tpu.memory_space<vmem>>, vector<16xi32>,
      %get3A_299 = vector.shape_cast %get3A_298 : vector<16xi32> to vector<16xi32>
      %swap3A_300 = arith.constant 48 : index
      %swap3A_301 = tpu.vector_load %arg13[%swap3A_300] {strides = array<i32>} : memref<64xi32, #tpu.memory_space<vmem>>, vector<16xi32>,
      %swap3A_302 = vector.shape_cast %swap3A_301 : vector<16xi32> to vector<16xi32>
      %swap3A_303 = vector.shape_cast %get3A_299 : vector<16xi32> to vector<16xi32>
      tpu.vector_store %arg13[%swap3A_300], %swap3A_303 {strides = array<i32>} : memref<64xi32, #tpu.memory_space<vmem>>, vector<16xi32>,
      %dma_start3A_304 = arith.constant 0 : i32
      %dma_start3A_305 = arith.constant 0 : i32
      %dma_start3A_306 = tpu.memref_slice %arg2[%dma_start3A_304, %dma_start3A_305] : memref<40960x128xf32, #tpu.memory_space<hbm>> -> memref<40960x128xf32, #tpu.memory_space<hbm>>
      tpu.enqueue_indirect_dma source(%dma_start3A_306 : memref<40960x128xf32, #tpu.memory_space<hbm>>) target(%arg14 : memref<64x128xf32, #tpu.memory_space<vmem>>) offsets(%arg12 : memref<64xi32, #tpu.memory_space<vmem>>) semaphore(%arg17 : memref<!tpu.dma_semaphore, #tpu.memory_space<semaphore_mem>>)
      %dma_wait3A_307 = arith.constant 0 : i32
      %dma_wait3A_308 = arith.constant 0 : i32
      %dma_wait3A_309 = tpu.memref_slice %arg2[%dma_wait3A_307, %dma_wait3A_308] : memref<40960x128xf32, #tpu.memory_space<hbm>> -> memref<40960x128xf32, #tpu.memory_space<hbm>>
      tpu.wait_indirect_dma semaphore(%arg16 : memref<!tpu.dma_semaphore, #tpu.memory_space<semaphore_mem>>) src(%dma_wait3A_309 : memref<40960x128xf32, #tpu.memory_space<hbm>>) dst(%arg11 : memref<64x128xf32, #tpu.memory_space<vmem>>)
      "tpu.region"() ({
        %run_scoped3A = tpu.sem_alloc : memref<!tpu.dma_semaphore, #tpu.memory_space<semaphore_mem>>
        %dma_start3A_316 = arith.constant 0 : i32
        %dma_start3A_317 = arith.constant 0 : i32
        %dma_start3A_318 = tpu.memref_slice %arg15[%dma_start3A_316, %dma_start3A_317] : memref<10240x128xf32, #tpu.memory_space<vmem_shared>> -> memref<10240x128xf32, #tpu.memory_space<vmem_shared>>
        tpu.enqueue_indirect_dma source(%arg11 : memref<64x128xf32, #tpu.memory_space<vmem>>) target(%dma_start3A_318 : memref<10240x128xf32, #tpu.memory_space<vmem_shared>>) offsets(%arg10 : memref<64xi32, #tpu.memory_space<vmem>>) semaphore(%run_scoped3A : memref<!tpu.dma_semaphore, #tpu.memory_space<semaphore_mem>>) {add = true}
        %dma_wait3A_319 = arith.constant 0 : i32
        %dma_wait3A_320 = arith.constant 0 : i32
        %dma_wait3A_321 = tpu.memref_slice %arg15[%dma_wait3A_319, %dma_wait3A_320] : memref<10240x128xf32, #tpu.memory_space<vmem_shared>> -> memref<10240x128xf32, #tpu.memory_space<vmem_shared>>
        tpu.wait_indirect_dma semaphore(%run_scoped3A : memref<!tpu.dma_semaphore, #tpu.memory_space<semaphore_mem>>) src(%arg11 : memref<64x128xf32, #tpu.memory_space<vmem>>) dst(%dma_wait3A_321 : memref<10240x128xf32, #tpu.memory_space<vmem_shared>>)
        tpu.yield
      }) : () -> ()
      %lt3A = arith.constant 77 : i32
      %lt3A_310 = arith.cmpi slt, %scan3A_216, %lt3A : i32
      %convert_element_type3A = arith.extui %lt3A_310 : i1 to i32
      %cond3A = arith.constant 0 : i32
      %cond3A_311 = arith.cmpi ne, %convert_element_type3A, %cond3A : i32
      scf.if %cond3A_311 {
        %mul3A_316 = arith.constant 2 : i32
        %mul3A_317 = arith.muli %mul3A_316, %scan3A_216 : i32
        %add3A_318 = arith.constant 2 : i32
        %add3A_319 = arith.addi %mul3A_317, %add3A_318 : i32
        %mul3A_320 = arith.constant 64 : i32
        %mul3A_321 = arith.muli %add3A_319, %mul3A_320 : i32
        %add3A_322 = arith.constant 0 : i32
        %add3A_323 = arith.addi %mul3A_321, %add3A_322 : i32
        %get3A_324 = arith.index_cast %add3A_323 : i32 to index
        %get3A_325 = tpu.vector_load %arg7[%get3A_324] {strides = array<i32>} : memref<10000xi32, #tpu.memory_space<vmem>>, vector<16xi32>,
        %get3A_326 = vector.shape_cast %get3A_325 : vector<16xi32> to vector<16xi32>
        %add3A_327 = vector.broadcast %mul3A_5 : i32 to vector<16xi32>
        %add3A_328 = arith.addi %get3A_326, %add3A_327 : vector<16xi32>
        %swap3A_329 = arith.constant 0 : index
        %swap3A_330 = tpu.vector_load %arg9[%swap3A_329] {strides = array<i32>} : memref<64xi32, #tpu.memory_space<vmem>>, vector<16xi32>,
        %swap3A_331 = vector.shape_cast %swap3A_330 : vector<16xi32> to vector<16xi32>
        %swap3A_332 = vector.shape_cast %add3A_328 : vector<16xi32> to vector<16xi32>
        tpu.vector_store %arg9[%swap3A_329], %swap3A_332 {strides = array<i32>} : memref<64xi32, #tpu.memory_space<vmem>>, vector<16xi32>,
        %add3A_333 = arith.constant 0 : i32
        %add3A_334 = arith.addi %mul3A_321, %add3A_333 : i32
        %get3A_335 = arith.index_cast %add3A_334 : i32 to index
        %get3A_336 = tpu.vector_load %arg8[%get3A_335] {strides = array<i32>} : memref<10000xi32, #tpu.memory_space<vmem>>, vector<16xi32>,
        %get3A_337 = vector.shape_cast %get3A_336 : vector<16xi32> to vector<16xi32>
        %swap3A_338 = arith.constant 0 : index
        %swap3A_339 = tpu.vector_load %arg10[%swap3A_338] {strides = array<i32>} : memref<64xi32, #tpu.memory_space<vmem>>, vector<16xi32>,
        %swap3A_340 = vector.shape_cast %swap3A_339 : vector<16xi32> to vector<16xi32>
        %swap3A_341 = vector.shape_cast %get3A_337 : vector<16xi32> to vector<16xi32>
        tpu.vector_store %arg10[%swap3A_338], %swap3A_341 {strides = array<i32>} : memref<64xi32, #tpu.memory_space<vmem>>, vector<16xi32>,
        %add3A_342 = arith.constant 16 : i32
        %add3A_343 = arith.addi %mul3A_321, %add3A_342 : i32
        %get3A_344 = arith.index_cast %add3A_343 : i32 to index
        %get3A_345 = tpu.vector_load %arg7[%get3A_344] {strides = array<i32>} : memref<10000xi32, #tpu.memory_space<vmem>>, vector<16xi32>,
        %get3A_346 = vector.shape_cast %get3A_345 : vector<16xi32> to vector<16xi32>
        %add3A_347 = vector.broadcast %mul3A_5 : i32 to vector<16xi32>
        %add3A_348 = arith.addi %get3A_346, %add3A_347 : vector<16xi32>
        %swap3A_349 = arith.constant 16 : index
        %swap3A_350 = tpu.vector_load %arg9[%swap3A_349] {strides = array<i32>} : memref<64xi32, #tpu.memory_space<vmem>>, vector<16xi32>,
        %swap3A_351 = vector.shape_cast %swap3A_350 : vector<16xi32> to vector<16xi32>
        %swap3A_352 = vector.shape_cast %add3A_348 : vector<16xi32> to vector<16xi32>
        tpu.vector_store %arg9[%swap3A_349], %swap3A_352 {strides = array<i32>} : memref<64xi32, #tpu.memory_space<vmem>>, vector<16xi32>,
        %add3A_353 = arith.constant 16 : i32
        %add3A_354 = arith.addi %mul3A_321, %add3A_353 : i32
        %get3A_355 = arith.index_cast %add3A_354 : i32 to index
        %get3A_356 = tpu.vector_load %arg8[%get3A_355] {strides = array<i32>} : memref<10000xi32, #tpu.memory_space<vmem>>, vector<16xi32>,
        %get3A_357 = vector.shape_cast %get3A_356 : vector<16xi32> to vector<16xi32>
        %swap3A_358 = arith.constant 16 : index
        %swap3A_359 = tpu.vector_load %arg10[%swap3A_358] {strides = array<i32>} : memref<64xi32, #tpu.memory_space<vmem>>, vector<16xi32>,
        %swap3A_360 = vector.shape_cast %swap3A_359 : vector<16xi32> to vector<16xi32>
        %swap3A_361 = vector.shape_cast %get3A_357 : vector<16xi32> to vector<16xi32>
        tpu.vector_store %arg10[%swap3A_358], %swap3A_361 {strides = array<i32>} : memref<64xi32, #tpu.memory_space<vmem>>, vector<16xi32>,
        %add3A_362 = arith.constant 32 : i32
        %add3A_363 = arith.addi %mul3A_321, %add3A_362 : i32
        %get3A_364 = arith.index_cast %add3A_363 : i32 to index
        %get3A_365 = tpu.vector_load %arg7[%get3A_364] {strides = array<i32>} : memref<10000xi32, #tpu.memory_space<vmem>>, vector<16xi32>,
        %get3A_366 = vector.shape_cast %get3A_365 : vector<16xi32> to vector<16xi32>
        %add3A_367 = vector.broadcast %mul3A_5 : i32 to vector<16xi32>
        %add3A_368 = arith.addi %get3A_366, %add3A_367 : vector<16xi32>
        %swap3A_369 = arith.constant 32 : index
        %swap3A_370 = tpu.vector_load %arg9[%swap3A_369] {strides = array<i32>} : memref<64xi32, #tpu.memory_space<vmem>>, vector<16xi32>,
        %swap3A_371 = vector.shape_cast %swap3A_370 : vector<16xi32> to vector<16xi32>
        %swap3A_372 = vector.shape_cast %add3A_368 : vector<16xi32> to vector<16xi32>
        tpu.vector_store %arg9[%swap3A_369], %swap3A_372 {strides = array<i32>} : memref<64xi32, #tpu.memory_space<vmem>>, vector<16xi32>,
        %add3A_373 = arith.constant 32 : i32
        %add3A_374 = arith.addi %mul3A_321, %add3A_373 : i32
        %get3A_375 = arith.index_cast %add3A_374 : i32 to index
        %get3A_376 = tpu.vector_load %arg8[%get3A_375] {strides = array<i32>} : memref<10000xi32, #tpu.memory_space<vmem>>, vector<16xi32>,
        %get3A_377 = vector.shape_cast %get3A_376 : vector<16xi32> to vector<16xi32>
        %swap3A_378 = arith.constant 32 : index
        %swap3A_379 = tpu.vector_load %arg10[%swap3A_378] {strides = array<i32>} : memref<64xi32, #tpu.memory_space<vmem>>, vector<16xi32>,
        %swap3A_380 = vector.shape_cast %swap3A_379 : vector<16xi32> to vector<16xi32>
        %swap3A_381 = vector.shape_cast %get3A_377 : vector<16xi32> to vector<16xi32>
        tpu.vector_store %arg10[%swap3A_378], %swap3A_381 {strides = array<i32>} : memref<64xi32, #tpu.memory_space<vmem>>, vector<16xi32>,
        %add3A_382 = arith.constant 48 : i32
        %add3A_383 = arith.addi %mul3A_321, %add3A_382 : i32
        %get3A_384 = arith.index_cast %add3A_383 : i32 to index
        %get3A_385 = tpu.vector_load %arg7[%get3A_384] {strides = array<i32>} : memref<10000xi32, #tpu.memory_space<vmem>>, vector<16xi32>,
        %get3A_386 = vector.shape_cast %get3A_385 : vector<16xi32> to vector<16xi32>
        %add3A_387 = vector.broadcast %mul3A_5 : i32 to vector<16xi32>
        %add3A_388 = arith.addi %get3A_386, %add3A_387 : vector<16xi32>
        %swap3A_389 = arith.constant 48 : index
        %swap3A_390 = tpu.vector_load %arg9[%swap3A_389] {strides = array<i32>} : memref<64xi32, #tpu.memory_space<vmem>>, vector<16xi32>,
        %swap3A_391 = vector.shape_cast %swap3A_390 : vector<16xi32> to vector<16xi32>
        %swap3A_392 = vector.shape_cast %add3A_388 : vector<16xi32> to vector<16xi32>
        tpu.vector_store %arg9[%swap3A_389], %swap3A_392 {strides = array<i32>} : memref<64xi32, #tpu.memory_space<vmem>>, vector<16xi32>,
        %add3A_393 = arith.constant 48 : i32
        %add3A_394 = arith.addi %mul3A_321, %add3A_393 : i32
        %get3A_395 = arith.index_cast %add3A_394 : i32 to index
        %get3A_396 = tpu.vector_load %arg8[%get3A_395] {strides = array<i32>} : memref<10000xi32, #tpu.memory_space<vmem>>, vector<16xi32>,
        %get3A_397 = vector.shape_cast %get3A_396 : vector<16xi32> to vector<16xi32>
        %swap3A_398 = arith.constant 48 : index
        %swap3A_399 = tpu.vector_load %arg10[%swap3A_398] {strides = array<i32>} : memref<64xi32, #tpu.memory_space<vmem>>, vector<16xi32>,
        %swap3A_400 = vector.shape_cast %swap3A_399 : vector<16xi32> to vector<16xi32>
        %swap3A_401 = vector.shape_cast %get3A_397 : vector<16xi32> to vector<16xi32>
        tpu.vector_store %arg10[%swap3A_398], %swap3A_401 {strides = array<i32>} : memref<64xi32, #tpu.memory_space<vmem>>, vector<16xi32>,
        %dma_start3A_402 = arith.constant 0 : i32
        %dma_start3A_403 = arith.constant 0 : i32
        %dma_start3A_404 = tpu.memref_slice %arg2[%dma_start3A_402, %dma_start3A_403] : memref<40960x128xf32, #tpu.memory_space<hbm>> -> memref<40960x128xf32, #tpu.memory_space<hbm>>
        tpu.enqueue_indirect_dma source(%dma_start3A_404 : memref<40960x128xf32, #tpu.memory_space<hbm>>) target(%arg11 : memref<64x128xf32, #tpu.memory_space<vmem>>) offsets(%arg9 : memref<64xi32, #tpu.memory_space<vmem>>) semaphore(%arg16 : memref<!tpu.dma_semaphore, #tpu.memory_space<semaphore_mem>>)
      } else {
      }
      %dma_wait3A_312 = arith.constant 0 : i32
      %dma_wait3A_313 = arith.constant 0 : i32
      %dma_wait3A_314 = tpu.memref_slice %arg2[%dma_wait3A_312, %dma_wait3A_313] : memref<40960x128xf32, #tpu.memory_space<hbm>> -> memref<40960x128xf32, #tpu.memory_space<hbm>>
      tpu.wait_indirect_dma semaphore(%arg17 : memref<!tpu.dma_semaphore, #tpu.memory_space<semaphore_mem>>) src(%dma_wait3A_314 : memref<40960x128xf32, #tpu.memory_space<hbm>>) dst(%arg14 : memref<64x128xf32, #tpu.memory_space<vmem>>)
      "tpu.region"() ({
        %run_scoped3A = tpu.sem_alloc : memref<!tpu.dma_semaphore, #tpu.memory_space<semaphore_mem>>
        %dma_start3A_316 = arith.constant 0 : i32
        %dma_start3A_317 = arith.constant 0 : i32
        %dma_start3A_318 = tpu.memref_slice %arg15[%dma_start3A_316, %dma_start3A_317] : memref<10240x128xf32, #tpu.memory_space<vmem_shared>> -> memref<10240x128xf32, #tpu.memory_space<vmem_shared>>
        tpu.enqueue_indirect_dma source(%arg14 : memref<64x128xf32, #tpu.memory_space<vmem>>) target(%dma_start3A_318 : memref<10240x128xf32, #tpu.memory_space<vmem_shared>>) offsets(%arg13 : memref<64xi32, #tpu.memory_space<vmem>>) semaphore(%run_scoped3A : memref<!tpu.dma_semaphore, #tpu.memory_space<semaphore_mem>>) {add = true}
        %dma_wait3A_319 = arith.constant 0 : i32
        %dma_wait3A_320 = arith.constant 0 : i32
        %dma_wait3A_321 = tpu.memref_slice %arg15[%dma_wait3A_319, %dma_wait3A_320] : memref<10240x128xf32, #tpu.memory_space<vmem_shared>> -> memref<10240x128xf32, #tpu.memory_space<vmem_shared>>
        tpu.wait_indirect_dma semaphore(%run_scoped3A : memref<!tpu.dma_semaphore, #tpu.memory_space<semaphore_mem>>) src(%arg14 : memref<64x128xf32, #tpu.memory_space<vmem>>) dst(%dma_wait3A_321 : memref<10240x128xf32, #tpu.memory_space<vmem_shared>>)
        tpu.yield
      }) : () -> ()
      %scan3A_315 = arith.constant 0 : i32
      scf.yield %scan3A_315 : i32
    }
    %scan3A_79 = arith.constant 78 : i32
    %get3A_80 = arith.constant 9984 : index
    %get3A_81 = tpu.vector_load %arg7[%get3A_80] {strides = array<i32>} : memref<10000xi32, #tpu.memory_space<vmem>>, vector<16xi32>,
    %get3A_82 = vector.shape_cast %get3A_81 : vector<16xi32> to vector<16xi32>
    %add3A_83 = vector.broadcast %mul3A_5 : i32 to vector<16xi32>
    %add3A_84 = arith.addi %get3A_82, %add3A_83 : vector<16xi32>
    %get3A_85 = arith.constant 9984 : index
    %get3A_86 = tpu.vector_load %arg8[%get3A_85] {strides = array<i32>} : memref<10000xi32, #tpu.memory_space<vmem>>, vector<16xi32>,
    %get3A_87 = vector.shape_cast %get3A_86 : vector<16xi32> to vector<16xi32>
    %dma_start3A_88 = arith.constant 0 : i32
    %dma_start3A_89 = arith.constant 0 : i32
    %dma_start3A_90 = tpu.memref_slice %arg11[%dma_start3A_88, %dma_start3A_89] : memref<64x128xf32, #tpu.memory_space<vmem>> -> memref<16x128xf32, #tpu.memory_space<vmem>>
    %dma_start3A_91 = arith.constant 0 : i32
    %dma_start3A_92 = arith.constant 0 : i32
    %dma_start3A_93 = tpu.memref_slice %arg2[%dma_start3A_91, %dma_start3A_92] : memref<40960x128xf32, #tpu.memory_space<hbm>> -> memref<40960x128xf32, #tpu.memory_space<hbm>>
    tpu.enqueue_indirect_dma source(%dma_start3A_93 : memref<40960x128xf32, #tpu.memory_space<hbm>>) target(%dma_start3A_90 : memref<16x128xf32, #tpu.memory_space<vmem>>) offsets(%add3A_84 : vector<16xi32>) semaphore(%arg16 : memref<!tpu.dma_semaphore, #tpu.memory_space<semaphore_mem>>)
    %dma_wait3A = arith.constant 0 : i32
    %dma_wait3A_94 = arith.constant 0 : i32
    %dma_wait3A_95 = tpu.memref_slice %arg11[%dma_wait3A, %dma_wait3A_94] : memref<64x128xf32, #tpu.memory_space<vmem>> -> memref<16x128xf32, #tpu.memory_space<vmem>>
    %dma_wait3A_96 = arith.constant 0 : i32
    %dma_wait3A_97 = arith.constant 0 : i32
    %dma_wait3A_98 = tpu.memref_slice %arg2[%dma_wait3A_96, %dma_wait3A_97] : memref<40960x128xf32, #tpu.memory_space<hbm>> -> memref<40960x128xf32, #tpu.memory_space<hbm>>
    tpu.wait_indirect_dma semaphore(%arg16 : memref<!tpu.dma_semaphore, #tpu.memory_space<semaphore_mem>>) src(%dma_wait3A_98 : memref<40960x128xf32, #tpu.memory_space<hbm>>) dst(%dma_wait3A_95 : memref<16x128xf32, #tpu.memory_space<vmem>>)
    "tpu.region"() ({
      %run_scoped3A = tpu.sem_alloc : memref<!tpu.dma_semaphore, #tpu.memory_space<semaphore_mem>>
      %dma_start3A_216 = arith.constant 0 : i32
      %dma_start3A_217 = arith.constant 0 : i32
      %dma_start3A_218 = tpu.memref_slice %arg11[%dma_start3A_216, %dma_start3A_217] : memref<64x128xf32, #tpu.memory_space<vmem>> -> memref<16x128xf32, #tpu.memory_space<vmem>>
      %dma_start3A_219 = arith.constant 0 : i32
      %dma_start3A_220 = arith.constant 0 : i32
      %dma_start3A_221 = tpu.memref_slice %arg15[%dma_start3A_219, %dma_start3A_220] : memref<10240x128xf32, #tpu.memory_space<vmem_shared>> -> memref<10240x128xf32, #tpu.memory_space<vmem_shared>>
      tpu.enqueue_indirect_dma source(%dma_start3A_218 : memref<16x128xf32, #tpu.memory_space<vmem>>) target(%dma_start3A_221 : memref<10240x128xf32, #tpu.memory_space<vmem_shared>>) offsets(%get3A_87 : vector<16xi32>) semaphore(%run_scoped3A : memref<!tpu.dma_semaphore, #tpu.memory_space<semaphore_mem>>) {add = true}
      %dma_wait3A_222 = arith.constant 0 : i32
      %dma_wait3A_223 = arith.constant 0 : i32
      %dma_wait3A_224 = tpu.memref_slice %arg11[%dma_wait3A_222, %dma_wait3A_223] : memref<64x128xf32, #tpu.memory_space<vmem>> -> memref<16x128xf32, #tpu.memory_space<vmem>>
      %dma_wait3A_225 = arith.constant 0 : i32
      %dma_wait3A_226 = arith.constant 0 : i32
      %dma_wait3A_227 = tpu.memref_slice %arg15[%dma_wait3A_225, %dma_wait3A_226] : memref<10240x128xf32, #tpu.memory_space<vmem_shared>> -> memref<10240x128xf32, #tpu.memory_space<vmem_shared>>
      tpu.wait_indirect_dma semaphore(%run_scoped3A : memref<!tpu.dma_semaphore, #tpu.memory_space<semaphore_mem>>) src(%dma_wait3A_224 : memref<16x128xf32, #tpu.memory_space<vmem>>) dst(%dma_wait3A_227 : memref<10240x128xf32, #tpu.memory_space<vmem_shared>>)
      tpu.yield
    }) : () -> ()
    %barrier3A_99 = arith.constant 0 : index
    tpu.barrier barrier_id(%barrier3A_99)
    %mul3A_100 = arith.constant 640 : i32
    %mul3A_101 = arith.muli %arg1, %mul3A_100 : i32
    %mul3A_102 = arith.constant 640 : i32
    %mul3A_103 = arith.muli %arg1, %mul3A_102 : i32
    %add3A_104 = arith.addi %mul3A_5, %mul3A_103 : i32
    "tpu.region"() ({
      %run_scoped3A = tpu.sem_alloc : memref<!tpu.dma_semaphore, #tpu.memory_space<semaphore_mem>>
      %dma_start3A_216 = arith.constant 0 : i32
      %dma_start3A_217 = tpu.memref_slice %arg6[%add3A_104, %dma_start3A_216] : memref<40960x128xf32, #tpu.memory_space<hbm>> -> memref<640x128xf32, #tpu.memory_space<hbm>>
      %dma_start3A_218 = arith.constant 0 : i32
      %dma_start3A_219 = tpu.memref_slice %arg15[%mul3A_101, %dma_start3A_218] : memref<10240x128xf32, #tpu.memory_space<vmem_shared>> -> memref<640x128xf32, #tpu.memory_space<vmem_shared>>
      tpu.enqueue_dma source(%dma_start3A_219 : memref<640x128xf32, #tpu.memory_space<vmem_shared>>) target(%dma_start3A_217 : memref<640x128xf32, #tpu.memory_space<hbm>>) target_semaphore(%run_scoped3A : memref<!tpu.dma_semaphore, #tpu.memory_space<semaphore_mem>>)
      %dma_wait3A_220 = arith.constant 0 : i32
      %dma_wait3A_221 = tpu.memref_slice %arg6[%add3A_104, %dma_wait3A_220] : memref<40960x128xf32, #tpu.memory_space<hbm>> -> memref<640x128xf32, #tpu.memory_space<hbm>>
      %dma_wait3A_222 = arith.constant 0 : i32
      %dma_wait3A_223 = tpu.memref_slice %arg15[%mul3A_101, %dma_wait3A_222] : memref<10240x128xf32, #tpu.memory_space<vmem_shared>> -> memref<640x128xf32, #tpu.memory_space<vmem_shared>>
      tpu.wait_dma2 semaphore(%run_scoped3A : memref<!tpu.dma_semaphore, #tpu.memory_space<semaphore_mem>>) src(%dma_wait3A_223 : memref<640x128xf32, #tpu.memory_space<vmem_shared>>) dst(%dma_wait3A_221 : memref<640x128xf32, #tpu.memory_space<hbm>>)
      tpu.yield
    }) : () -> ()
    %barrier3A_105 = arith.constant 0 : index
    tpu.barrier barrier_id(%barrier3A_105)
    %add3A_106 = arith.constant 2 : i32
    %add3A_107 = arith.addi %add3A_106, %arg0 : i32
    %mul3A_108 = arith.constant 10240 : i32
    %mul3A_109 = arith.muli %add3A_107, %mul3A_108 : i32
    %mul3A_110 = arith.constant 640 : i32
    %mul3A_111 = arith.muli %arg1, %mul3A_110 : i32
    %mul3A_112 = arith.constant 640 : i32
    %mul3A_113 = arith.muli %arg1, %mul3A_112 : i32
    "tpu.region"() ({
      %run_scoped3A = tpu.sem_alloc : memref<!tpu.dma_semaphore, #tpu.memory_space<semaphore_mem>>
      %dma_start3A_216 = arith.constant 0 : i32
      %dma_start3A_217 = tpu.memref_slice %arg15[%mul3A_113, %dma_start3A_216] : memref<10240x128xf32, #tpu.memory_space<vmem_shared>> -> memref<640x128xf32, #tpu.memory_space<vmem_shared>>
      %dma_start3A_218 = arith.constant 0 : i32
      %dma_start3A_219 = tpu.memref_slice %arg5[%mul3A_111, %dma_start3A_218] : memref<10240x128xf32, #tpu.memory_space<hbm>> -> memref<640x128xf32, #tpu.memory_space<hbm>>
      tpu.enqueue_dma source(%dma_start3A_219 : memref<640x128xf32, #tpu.memory_space<hbm>>) target(%dma_start3A_217 : memref<640x128xf32, #tpu.memory_space<vmem_shared>>) target_semaphore(%run_scoped3A : memref<!tpu.dma_semaphore, #tpu.memory_space<semaphore_mem>>)
      %dma_wait3A_220 = arith.constant 0 : i32
      %dma_wait3A_221 = tpu.memref_slice %arg15[%mul3A_113, %dma_wait3A_220] : memref<10240x128xf32, #tpu.memory_space<vmem_shared>> -> memref<640x128xf32, #tpu.memory_space<vmem_shared>>
      %dma_wait3A_222 = arith.constant 0 : i32
      %dma_wait3A_223 = tpu.memref_slice %arg5[%mul3A_111, %dma_wait3A_222] : memref<10240x128xf32, #tpu.memory_space<hbm>> -> memref<640x128xf32, #tpu.memory_space<hbm>>
      tpu.wait_dma2 semaphore(%run_scoped3A : memref<!tpu.dma_semaphore, #tpu.memory_space<semaphore_mem>>) src(%dma_wait3A_223 : memref<640x128xf32, #tpu.memory_space<hbm>>) dst(%dma_wait3A_221 : memref<640x128xf32, #tpu.memory_space<vmem_shared>>)
      tpu.yield
    }) : () -> ()
    %barrier3A_114 = arith.constant 0 : index
    tpu.barrier barrier_id(%barrier3A_114)
    %get3A_115 = arith.constant 0 : index
    %get3A_116 = tpu.vector_load %arg7[%get3A_115] {strides = array<i32>} : memref<10000xi32, #tpu.memory_space<vmem>>, vector<16xi32>,
    %get3A_117 = vector.shape_cast %get3A_116 : vector<16xi32> to vector<16xi32>
    %add3A_118 = vector.broadcast %mul3A_109 : i32 to vector<16xi32>
    %add3A_119 = arith.addi %get3A_117, %add3A_118 : vector<16xi32>
    %swap3A_120 = arith.constant 0 : index
    %swap3A_121 = tpu.vector_load %arg9[%swap3A_120] {strides = array<i32>} : memref<64xi32, #tpu.memory_space<vmem>>, vector<16xi32>,
    %swap3A_122 = vector.shape_cast %swap3A_121 : vector<16xi32> to vector<16xi32>
    %swap3A_123 = vector.shape_cast %add3A_119 : vector<16xi32> to vector<16xi32>
    tpu.vector_store %arg9[%swap3A_120], %swap3A_123 {strides = array<i32>} : memref<64xi32, #tpu.memory_space<vmem>>, vector<16xi32>,
    %get3A_124 = arith.constant 0 : index
    %get3A_125 = tpu.vector_load %arg8[%get3A_124] {strides = array<i32>} : memref<10000xi32, #tpu.memory_space<vmem>>, vector<16xi32>,
    %get3A_126 = vector.shape_cast %get3A_125 : vector<16xi32> to vector<16xi32>
    %swap3A_127 = arith.constant 0 : index
    %swap3A_128 = tpu.vector_load %arg10[%swap3A_127] {strides = array<i32>} : memref<64xi32, #tpu.memory_space<vmem>>, vector<16xi32>,
    %swap3A_129 = vector.shape_cast %swap3A_128 : vector<16xi32> to vector<16xi32>
    %swap3A_130 = vector.shape_cast %get3A_126 : vector<16xi32> to vector<16xi32>
    tpu.vector_store %arg10[%swap3A_127], %swap3A_130 {strides = array<i32>} : memref<64xi32, #tpu.memory_space<vmem>>, vector<16xi32>,
    %get3A_131 = arith.constant 16 : index
    %get3A_132 = tpu.vector_load %arg7[%get3A_131] {strides = array<i32>} : memref<10000xi32, #tpu.memory_space<vmem>>, vector<16xi32>,
    %get3A_133 = vector.shape_cast %get3A_132 : vector<16xi32> to vector<16xi32>
    %add3A_134 = vector.broadcast %mul3A_109 : i32 to vector<16xi32>
    %add3A_135 = arith.addi %get3A_133, %add3A_134 : vector<16xi32>
    %swap3A_136 = arith.constant 16 : index
    %swap3A_137 = tpu.vector_load %arg9[%swap3A_136] {strides = array<i32>} : memref<64xi32, #tpu.memory_space<vmem>>, vector<16xi32>,
    %swap3A_138 = vector.shape_cast %swap3A_137 : vector<16xi32> to vector<16xi32>
    %swap3A_139 = vector.shape_cast %add3A_135 : vector<16xi32> to vector<16xi32>
    tpu.vector_store %arg9[%swap3A_136], %swap3A_139 {strides = array<i32>} : memref<64xi32, #tpu.memory_space<vmem>>, vector<16xi32>,
    %get3A_140 = arith.constant 16 : index
    %get3A_141 = tpu.vector_load %arg8[%get3A_140] {strides = array<i32>} : memref<10000xi32, #tpu.memory_space<vmem>>, vector<16xi32>,
    %get3A_142 = vector.shape_cast %get3A_141 : vector<16xi32> to vector<16xi32>
    %swap3A_143 = arith.constant 16 : index
    %swap3A_144 = tpu.vector_load %arg10[%swap3A_143] {strides = array<i32>} : memref<64xi32, #tpu.memory_space<vmem>>, vector<16xi32>,
    %swap3A_145 = vector.shape_cast %swap3A_144 : vector<16xi32> to vector<16xi32>
    %swap3A_146 = vector.shape_cast %get3A_142 : vector<16xi32> to vector<16xi32>
    tpu.vector_store %arg10[%swap3A_143], %swap3A_146 {strides = array<i32>} : memref<64xi32, #tpu.memory_space<vmem>>, vector<16xi32>,
    %get3A_147 = arith.constant 32 : index
    %get3A_148 = tpu.vector_load %arg7[%get3A_147] {strides = array<i32>} : memref<10000xi32, #tpu.memory_space<vmem>>, vector<16xi32>,
    %get3A_149 = vector.shape_cast %get3A_148 : vector<16xi32> to vector<16xi32>
    %add3A_150 = vector.broadcast %mul3A_109 : i32 to vector<16xi32>
    %add3A_151 = arith.addi %get3A_149, %add3A_150 : vector<16xi32>
    %swap3A_152 = arith.constant 32 : index
    %swap3A_153 = tpu.vector_load %arg9[%swap3A_152] {strides = array<i32>} : memref<64xi32, #tpu.memory_space<vmem>>, vector<16xi32>,
    %swap3A_154 = vector.shape_cast %swap3A_153 : vector<16xi32> to vector<16xi32>
    %swap3A_155 = vector.shape_cast %add3A_151 : vector<16xi32> to vector<16xi32>
    tpu.vector_store %arg9[%swap3A_152], %swap3A_155 {strides = array<i32>} : memref<64xi32, #tpu.memory_space<vmem>>, vector<16xi32>,
    %get3A_156 = arith.constant 32 : index
    %get3A_157 = tpu.vector_load %arg8[%get3A_156] {strides = array<i32>} : memref<10000xi32, #tpu.memory_space<vmem>>, vector<16xi32>,
    %get3A_158 = vector.shape_cast %get3A_157 : vector<16xi32> to vector<16xi32>
    %swap3A_159 = arith.constant 32 : index
    %swap3A_160 = tpu.vector_load %arg10[%swap3A_159] {strides = array<i32>} : memref<64xi32, #tpu.memory_space<vmem>>, vector<16xi32>,
    %swap3A_161 = vector.shape_cast %swap3A_160 : vector<16xi32> to vector<16xi32>
    %swap3A_162 = vector.shape_cast %get3A_158 : vector<16xi32> to vector<16xi32>
    tpu.vector_store %arg10[%swap3A_159], %swap3A_162 {strides = array<i32>} : memref<64xi32, #tpu.memory_space<vmem>>, vector<16xi32>,
    %get3A_163 = arith.constant 48 : index
    %get3A_164 = tpu.vector_load %arg7[%get3A_163] {strides = array<i32>} : memref<10000xi32, #tpu.memory_space<vmem>>, vector<16xi32>,
    %get3A_165 = vector.shape_cast %get3A_164 : vector<16xi32> to vector<16xi32>
    %add3A_166 = vector.broadcast %mul3A_109 : i32 to vector<16xi32>
    %add3A_167 = arith.addi %get3A_165, %add3A_166 : vector<16xi32>
    %swap3A_168 = arith.constant 48 : index
    %swap3A_169 = tpu.vector_load %arg9[%swap3A_168] {strides = array<i32>} : memref<64xi32, #tpu.memory_space<vmem>>, vector<16xi32>,
    %swap3A_170 = vector.shape_cast %swap3A_169 : vector<16xi32> to vector<16xi32>
    %swap3A_171 = vector.shape_cast %add3A_167 : vector<16xi32> to vector<16xi32>
    tpu.vector_store %arg9[%swap3A_168], %swap3A_171 {strides = array<i32>} : memref<64xi32, #tpu.memory_space<vmem>>, vector<16xi32>,
    %get3A_172 = arith.constant 48 : index
    %get3A_173 = tpu.vector_load %arg8[%get3A_172] {strides = array<i32>} : memref<10000xi32, #tpu.memory_space<vmem>>, vector<16xi32>,
    %get3A_174 = vector.shape_cast %get3A_173 : vector<16xi32> to vector<16xi32>
    %swap3A_175 = arith.constant 48 : index
    %swap3A_176 = tpu.vector_load %arg10[%swap3A_175] {strides = array<i32>} : memref<64xi32, #tpu.memory_space<vmem>>, vector<16xi32>,
    %swap3A_177 = vector.shape_cast %swap3A_176 : vector<16xi32> to vector<16xi32>
    %swap3A_178 = vector.shape_cast %get3A_174 : vector<16xi32> to vector<16xi32>
    tpu.vector_store %arg10[%swap3A_175], %swap3A_178 {strides = array<i32>} : memref<64xi32, #tpu.memory_space<vmem>>, vector<16xi32>,
    %dma_start3A_179 = arith.constant 0 : i32
    %dma_start3A_180 = arith.constant 0 : i32
    %dma_start3A_181 = tpu.memref_slice %arg2[%dma_start3A_179, %dma_start3A_180] : memref<40960x128xf32, #tpu.memory_space<hbm>> -> memref<40960x128xf32, #tpu.memory_space<hbm>>
    tpu.enqueue_indirect_dma source(%dma_start3A_181 : memref<40960x128xf32, #tpu.memory_space<hbm>>) target(%arg11 : memref<64x128xf32, #tpu.memory_space<vmem>>) offsets(%arg9 : memref<64xi32, #tpu.memory_space<vmem>>) semaphore(%arg16 : memref<!tpu.dma_semaphore, #tpu.memory_space<semaphore_mem>>)
    %scan3A_182 = arith.constant 0 : i32
    %scan3A_183 = arith.constant 0 : i32
    %scan3A_184 = arith.constant 78 : i32
    %scan3A_185 = arith.addi %scan3A_183, %scan3A_184 : i32
    %scan3A_186 = arith.constant 1 : i32
    %scan3A_187 = scf.for %scan3A_216 = %scan3A_183 to %scan3A_185 step %scan3A_186 iter_args(%scan3A_217 = %scan3A_182) -> (i32)  : i32 {
      %mul3A_218 = arith.constant 2 : i32
      %mul3A_219 = arith.muli %mul3A_218, %scan3A_216 : i32
      %add3A_220 = arith.constant 1 : i32
      %add3A_221 = arith.addi %mul3A_219, %add3A_220 : i32
      %mul3A_222 = arith.constant 64 : i32
      %mul3A_223 = arith.muli %add3A_221, %mul3A_222 : i32
      %add3A_224 = arith.constant 0 : i32
      %add3A_225 = arith.addi %mul3A_223, %add3A_224 : i32
      %get3A_226 = arith.index_cast %add3A_225 : i32 to index
      %get3A_227 = tpu.vector_load %arg7[%get3A_226] {strides = array<i32>} : memref<10000xi32, #tpu.memory_space<vmem>>, vector<16xi32>,
      %get3A_228 = vector.shape_cast %get3A_227 : vector<16xi32> to vector<16xi32>
      %add3A_229 = vector.broadcast %mul3A_109 : i32 to vector<16xi32>
      %add3A_230 = arith.addi %get3A_228, %add3A_229 : vector<16xi32>
      %swap3A_231 = arith.constant 0 : index
      %swap3A_232 = tpu.vector_load %arg12[%swap3A_231] {strides = array<i32>} : memref<64xi32, #tpu.memory_space<vmem>>, vector<16xi32>,
      %swap3A_233 = vector.shape_cast %swap3A_232 : vector<16xi32> to vector<16xi32>
      %swap3A_234 = vector.shape_cast %add3A_230 : vector<16xi32> to vector<16xi32>
      tpu.vector_store %arg12[%swap3A_231], %swap3A_234 {strides = array<i32>} : memref<64xi32, #tpu.memory_space<vmem>>, vector<16xi32>,
      %add3A_235 = arith.constant 0 : i32
      %add3A_236 = arith.addi %mul3A_223, %add3A_235 : i32
      %get3A_237 = arith.index_cast %add3A_236 : i32 to index
      %get3A_238 = tpu.vector_load %arg8[%get3A_237] {strides = array<i32>} : memref<10000xi32, #tpu.memory_space<vmem>>, vector<16xi32>,
      %get3A_239 = vector.shape_cast %get3A_238 : vector<16xi32> to vector<16xi32>
      %swap3A_240 = arith.constant 0 : index
      %swap3A_241 = tpu.vector_load %arg13[%swap3A_240] {strides = array<i32>} : memref<64xi32, #tpu.memory_space<vmem>>, vector<16xi32>,
      %swap3A_242 = vector.shape_cast %swap3A_241 : vector<16xi32> to vector<16xi32>
      %swap3A_243 = vector.shape_cast %get3A_239 : vector<16xi32> to vector<16xi32>
      tpu.vector_store %arg13[%swap3A_240], %swap3A_243 {strides = array<i32>} : memref<64xi32, #tpu.memory_space<vmem>>, vector<16xi32>,
      %add3A_244 = arith.constant 16 : i32
      %add3A_245 = arith.addi %mul3A_223, %add3A_244 : i32
      %get3A_246 = arith.index_cast %add3A_245 : i32 to index
      %get3A_247 = tpu.vector_load %arg7[%get3A_246] {strides = array<i32>} : memref<10000xi32, #tpu.memory_space<vmem>>, vector<16xi32>,
      %get3A_248 = vector.shape_cast %get3A_247 : vector<16xi32> to vector<16xi32>
      %add3A_249 = vector.broadcast %mul3A_109 : i32 to vector<16xi32>
      %add3A_250 = arith.addi %get3A_248, %add3A_249 : vector<16xi32>
      %swap3A_251 = arith.constant 16 : index
      %swap3A_252 = tpu.vector_load %arg12[%swap3A_251] {strides = array<i32>} : memref<64xi32, #tpu.memory_space<vmem>>, vector<16xi32>,
      %swap3A_253 = vector.shape_cast %swap3A_252 : vector<16xi32> to vector<16xi32>
      %swap3A_254 = vector.shape_cast %add3A_250 : vector<16xi32> to vector<16xi32>
      tpu.vector_store %arg12[%swap3A_251], %swap3A_254 {strides = array<i32>} : memref<64xi32, #tpu.memory_space<vmem>>, vector<16xi32>,
      %add3A_255 = arith.constant 16 : i32
      %add3A_256 = arith.addi %mul3A_223, %add3A_255 : i32
      %get3A_257 = arith.index_cast %add3A_256 : i32 to index
      %get3A_258 = tpu.vector_load %arg8[%get3A_257] {strides = array<i32>} : memref<10000xi32, #tpu.memory_space<vmem>>, vector<16xi32>,
      %get3A_259 = vector.shape_cast %get3A_258 : vector<16xi32> to vector<16xi32>
      %swap3A_260 = arith.constant 16 : index
      %swap3A_261 = tpu.vector_load %arg13[%swap3A_260] {strides = array<i32>} : memref<64xi32, #tpu.memory_space<vmem>>, vector<16xi32>,
      %swap3A_262 = vector.shape_cast %swap3A_261 : vector<16xi32> to vector<16xi32>
      %swap3A_263 = vector.shape_cast %get3A_259 : vector<16xi32> to vector<16xi32>
      tpu.vector_store %arg13[%swap3A_260], %swap3A_263 {strides = array<i32>} : memref<64xi32, #tpu.memory_space<vmem>>, vector<16xi32>,
      %add3A_264 = arith.constant 32 : i32
      %add3A_265 = arith.addi %mul3A_223, %add3A_264 : i32
      %get3A_266 = arith.index_cast %add3A_265 : i32 to index
      %get3A_267 = tpu.vector_load %arg7[%get3A_266] {strides = array<i32>} : memref<10000xi32, #tpu.memory_space<vmem>>, vector<16xi32>,
      %get3A_268 = vector.shape_cast %get3A_267 : vector<16xi32> to vector<16xi32>
      %add3A_269 = vector.broadcast %mul3A_109 : i32 to vector<16xi32>
      %add3A_270 = arith.addi %get3A_268, %add3A_269 : vector<16xi32>
      %swap3A_271 = arith.constant 32 : index
      %swap3A_272 = tpu.vector_load %arg12[%swap3A_271] {strides = array<i32>} : memref<64xi32, #tpu.memory_space<vmem>>, vector<16xi32>,
      %swap3A_273 = vector.shape_cast %swap3A_272 : vector<16xi32> to vector<16xi32>
      %swap3A_274 = vector.shape_cast %add3A_270 : vector<16xi32> to vector<16xi32>
      tpu.vector_store %arg12[%swap3A_271], %swap3A_274 {strides = array<i32>} : memref<64xi32, #tpu.memory_space<vmem>>, vector<16xi32>,
      %add3A_275 = arith.constant 32 : i32
      %add3A_276 = arith.addi %mul3A_223, %add3A_275 : i32
      %get3A_277 = arith.index_cast %add3A_276 : i32 to index
      %get3A_278 = tpu.vector_load %arg8[%get3A_277] {strides = array<i32>} : memref<10000xi32, #tpu.memory_space<vmem>>, vector<16xi32>,
      %get3A_279 = vector.shape_cast %get3A_278 : vector<16xi32> to vector<16xi32>
      %swap3A_280 = arith.constant 32 : index
      %swap3A_281 = tpu.vector_load %arg13[%swap3A_280] {strides = array<i32>} : memref<64xi32, #tpu.memory_space<vmem>>, vector<16xi32>,
      %swap3A_282 = vector.shape_cast %swap3A_281 : vector<16xi32> to vector<16xi32>
      %swap3A_283 = vector.shape_cast %get3A_279 : vector<16xi32> to vector<16xi32>
      tpu.vector_store %arg13[%swap3A_280], %swap3A_283 {strides = array<i32>} : memref<64xi32, #tpu.memory_space<vmem>>, vector<16xi32>,
      %add3A_284 = arith.constant 48 : i32
      %add3A_285 = arith.addi %mul3A_223, %add3A_284 : i32
      %get3A_286 = arith.index_cast %add3A_285 : i32 to index
      %get3A_287 = tpu.vector_load %arg7[%get3A_286] {strides = array<i32>} : memref<10000xi32, #tpu.memory_space<vmem>>, vector<16xi32>,
      %get3A_288 = vector.shape_cast %get3A_287 : vector<16xi32> to vector<16xi32>
      %add3A_289 = vector.broadcast %mul3A_109 : i32 to vector<16xi32>
      %add3A_290 = arith.addi %get3A_288, %add3A_289 : vector<16xi32>
      %swap3A_291 = arith.constant 48 : index
      %swap3A_292 = tpu.vector_load %arg12[%swap3A_291] {strides = array<i32>} : memref<64xi32, #tpu.memory_space<vmem>>, vector<16xi32>,
      %swap3A_293 = vector.shape_cast %swap3A_292 : vector<16xi32> to vector<16xi32>
      %swap3A_294 = vector.shape_cast %add3A_290 : vector<16xi32> to vector<16xi32>
      tpu.vector_store %arg12[%swap3A_291], %swap3A_294 {strides = array<i32>} : memref<64xi32, #tpu.memory_space<vmem>>, vector<16xi32>,
      %add3A_295 = arith.constant 48 : i32
      %add3A_296 = arith.addi %mul3A_223, %add3A_295 : i32
      %get3A_297 = arith.index_cast %add3A_296 : i32 to index
      %get3A_298 = tpu.vector_load %arg8[%get3A_297] {strides = array<i32>} : memref<10000xi32, #tpu.memory_space<vmem>>, vector<16xi32>,
      %get3A_299 = vector.shape_cast %get3A_298 : vector<16xi32> to vector<16xi32>
      %swap3A_300 = arith.constant 48 : index
      %swap3A_301 = tpu.vector_load %arg13[%swap3A_300] {strides = array<i32>} : memref<64xi32, #tpu.memory_space<vmem>>, vector<16xi32>,
      %swap3A_302 = vector.shape_cast %swap3A_301 : vector<16xi32> to vector<16xi32>
      %swap3A_303 = vector.shape_cast %get3A_299 : vector<16xi32> to vector<16xi32>
      tpu.vector_store %arg13[%swap3A_300], %swap3A_303 {strides = array<i32>} : memref<64xi32, #tpu.memory_space<vmem>>, vector<16xi32>,
      %dma_start3A_304 = arith.constant 0 : i32
      %dma_start3A_305 = arith.constant 0 : i32
      %dma_start3A_306 = tpu.memref_slice %arg2[%dma_start3A_304, %dma_start3A_305] : memref<40960x128xf32, #tpu.memory_space<hbm>> -> memref<40960x128xf32, #tpu.memory_space<hbm>>
      tpu.enqueue_indirect_dma source(%dma_start3A_306 : memref<40960x128xf32, #tpu.memory_space<hbm>>) target(%arg14 : memref<64x128xf32, #tpu.memory_space<vmem>>) offsets(%arg12 : memref<64xi32, #tpu.memory_space<vmem>>) semaphore(%arg17 : memref<!tpu.dma_semaphore, #tpu.memory_space<semaphore_mem>>)
      %dma_wait3A_307 = arith.constant 0 : i32
      %dma_wait3A_308 = arith.constant 0 : i32
      %dma_wait3A_309 = tpu.memref_slice %arg2[%dma_wait3A_307, %dma_wait3A_308] : memref<40960x128xf32, #tpu.memory_space<hbm>> -> memref<40960x128xf32, #tpu.memory_space<hbm>>
      tpu.wait_indirect_dma semaphore(%arg16 : memref<!tpu.dma_semaphore, #tpu.memory_space<semaphore_mem>>) src(%dma_wait3A_309 : memref<40960x128xf32, #tpu.memory_space<hbm>>) dst(%arg11 : memref<64x128xf32, #tpu.memory_space<vmem>>)
      "tpu.region"() ({
        %run_scoped3A = tpu.sem_alloc : memref<!tpu.dma_semaphore, #tpu.memory_space<semaphore_mem>>
        %dma_start3A_316 = arith.constant 0 : i32
        %dma_start3A_317 = arith.constant 0 : i32
        %dma_start3A_318 = tpu.memref_slice %arg15[%dma_start3A_316, %dma_start3A_317] : memref<10240x128xf32, #tpu.memory_space<vmem_shared>> -> memref<10240x128xf32, #tpu.memory_space<vmem_shared>>
        tpu.enqueue_indirect_dma source(%arg11 : memref<64x128xf32, #tpu.memory_space<vmem>>) target(%dma_start3A_318 : memref<10240x128xf32, #tpu.memory_space<vmem_shared>>) offsets(%arg10 : memref<64xi32, #tpu.memory_space<vmem>>) semaphore(%run_scoped3A : memref<!tpu.dma_semaphore, #tpu.memory_space<semaphore_mem>>) {add = true}
        %dma_wait3A_319 = arith.constant 0 : i32
        %dma_wait3A_320 = arith.constant 0 : i32
        %dma_wait3A_321 = tpu.memref_slice %arg15[%dma_wait3A_319, %dma_wait3A_320] : memref<10240x128xf32, #tpu.memory_space<vmem_shared>> -> memref<10240x128xf32, #tpu.memory_space<vmem_shared>>
        tpu.wait_indirect_dma semaphore(%run_scoped3A : memref<!tpu.dma_semaphore, #tpu.memory_space<semaphore_mem>>) src(%arg11 : memref<64x128xf32, #tpu.memory_space<vmem>>) dst(%dma_wait3A_321 : memref<10240x128xf32, #tpu.memory_space<vmem_shared>>)
        tpu.yield
      }) : () -> ()
      %lt3A = arith.constant 77 : i32
      %lt3A_310 = arith.cmpi slt, %scan3A_216, %lt3A : i32
      %convert_element_type3A = arith.extui %lt3A_310 : i1 to i32
      %cond3A = arith.constant 0 : i32
      %cond3A_311 = arith.cmpi ne, %convert_element_type3A, %cond3A : i32
      scf.if %cond3A_311 {
        %mul3A_316 = arith.constant 2 : i32
        %mul3A_317 = arith.muli %mul3A_316, %scan3A_216 : i32
        %add3A_318 = arith.constant 2 : i32
        %add3A_319 = arith.addi %mul3A_317, %add3A_318 : i32
        %mul3A_320 = arith.constant 64 : i32
        %mul3A_321 = arith.muli %add3A_319, %mul3A_320 : i32
        %add3A_322 = arith.constant 0 : i32
        %add3A_323 = arith.addi %mul3A_321, %add3A_322 : i32
        %get3A_324 = arith.index_cast %add3A_323 : i32 to index
        %get3A_325 = tpu.vector_load %arg7[%get3A_324] {strides = array<i32>} : memref<10000xi32, #tpu.memory_space<vmem>>, vector<16xi32>,
        %get3A_326 = vector.shape_cast %get3A_325 : vector<16xi32> to vector<16xi32>
        %add3A_327 = vector.broadcast %mul3A_109 : i32 to vector<16xi32>
        %add3A_328 = arith.addi %get3A_326, %add3A_327 : vector<16xi32>
        %swap3A_329 = arith.constant 0 : index
        %swap3A_330 = tpu.vector_load %arg9[%swap3A_329] {strides = array<i32>} : memref<64xi32, #tpu.memory_space<vmem>>, vector<16xi32>,
        %swap3A_331 = vector.shape_cast %swap3A_330 : vector<16xi32> to vector<16xi32>
        %swap3A_332 = vector.shape_cast %add3A_328 : vector<16xi32> to vector<16xi32>
        tpu.vector_store %arg9[%swap3A_329], %swap3A_332 {strides = array<i32>} : memref<64xi32, #tpu.memory_space<vmem>>, vector<16xi32>,
        %add3A_333 = arith.constant 0 : i32
        %add3A_334 = arith.addi %mul3A_321, %add3A_333 : i32
        %get3A_335 = arith.index_cast %add3A_334 : i32 to index
        %get3A_336 = tpu.vector_load %arg8[%get3A_335] {strides = array<i32>} : memref<10000xi32, #tpu.memory_space<vmem>>, vector<16xi32>,
        %get3A_337 = vector.shape_cast %get3A_336 : vector<16xi32> to vector<16xi32>
        %swap3A_338 = arith.constant 0 : index
        %swap3A_339 = tpu.vector_load %arg10[%swap3A_338] {strides = array<i32>} : memref<64xi32, #tpu.memory_space<vmem>>, vector<16xi32>,
        %swap3A_340 = vector.shape_cast %swap3A_339 : vector<16xi32> to vector<16xi32>
        %swap3A_341 = vector.shape_cast %get3A_337 : vector<16xi32> to vector<16xi32>
        tpu.vector_store %arg10[%swap3A_338], %swap3A_341 {strides = array<i32>} : memref<64xi32, #tpu.memory_space<vmem>>, vector<16xi32>,
        %add3A_342 = arith.constant 16 : i32
        %add3A_343 = arith.addi %mul3A_321, %add3A_342 : i32
        %get3A_344 = arith.index_cast %add3A_343 : i32 to index
        %get3A_345 = tpu.vector_load %arg7[%get3A_344] {strides = array<i32>} : memref<10000xi32, #tpu.memory_space<vmem>>, vector<16xi32>,
        %get3A_346 = vector.shape_cast %get3A_345 : vector<16xi32> to vector<16xi32>
        %add3A_347 = vector.broadcast %mul3A_109 : i32 to vector<16xi32>
        %add3A_348 = arith.addi %get3A_346, %add3A_347 : vector<16xi32>
        %swap3A_349 = arith.constant 16 : index
        %swap3A_350 = tpu.vector_load %arg9[%swap3A_349] {strides = array<i32>} : memref<64xi32, #tpu.memory_space<vmem>>, vector<16xi32>,
        %swap3A_351 = vector.shape_cast %swap3A_350 : vector<16xi32> to vector<16xi32>
        %swap3A_352 = vector.shape_cast %add3A_348 : vector<16xi32> to vector<16xi32>
        tpu.vector_store %arg9[%swap3A_349], %swap3A_352 {strides = array<i32>} : memref<64xi32, #tpu.memory_space<vmem>>, vector<16xi32>,
        %add3A_353 = arith.constant 16 : i32
        %add3A_354 = arith.addi %mul3A_321, %add3A_353 : i32
        %get3A_355 = arith.index_cast %add3A_354 : i32 to index
        %get3A_356 = tpu.vector_load %arg8[%get3A_355] {strides = array<i32>} : memref<10000xi32, #tpu.memory_space<vmem>>, vector<16xi32>,
        %get3A_357 = vector.shape_cast %get3A_356 : vector<16xi32> to vector<16xi32>
        %swap3A_358 = arith.constant 16 : index
        %swap3A_359 = tpu.vector_load %arg10[%swap3A_358] {strides = array<i32>} : memref<64xi32, #tpu.memory_space<vmem>>, vector<16xi32>,
        %swap3A_360 = vector.shape_cast %swap3A_359 : vector<16xi32> to vector<16xi32>
        %swap3A_361 = vector.shape_cast %get3A_357 : vector<16xi32> to vector<16xi32>
        tpu.vector_store %arg10[%swap3A_358], %swap3A_361 {strides = array<i32>} : memref<64xi32, #tpu.memory_space<vmem>>, vector<16xi32>,
        %add3A_362 = arith.constant 32 : i32
        %add3A_363 = arith.addi %mul3A_321, %add3A_362 : i32
        %get3A_364 = arith.index_cast %add3A_363 : i32 to index
        %get3A_365 = tpu.vector_load %arg7[%get3A_364] {strides = array<i32>} : memref<10000xi32, #tpu.memory_space<vmem>>, vector<16xi32>,
        %get3A_366 = vector.shape_cast %get3A_365 : vector<16xi32> to vector<16xi32>
        %add3A_367 = vector.broadcast %mul3A_109 : i32 to vector<16xi32>
        %add3A_368 = arith.addi %get3A_366, %add3A_367 : vector<16xi32>
        %swap3A_369 = arith.constant 32 : index
        %swap3A_370 = tpu.vector_load %arg9[%swap3A_369] {strides = array<i32>} : memref<64xi32, #tpu.memory_space<vmem>>, vector<16xi32>,
        %swap3A_371 = vector.shape_cast %swap3A_370 : vector<16xi32> to vector<16xi32>
        %swap3A_372 = vector.shape_cast %add3A_368 : vector<16xi32> to vector<16xi32>
        tpu.vector_store %arg9[%swap3A_369], %swap3A_372 {strides = array<i32>} : memref<64xi32, #tpu.memory_space<vmem>>, vector<16xi32>,
        %add3A_373 = arith.constant 32 : i32
        %add3A_374 = arith.addi %mul3A_321, %add3A_373 : i32
        %get3A_375 = arith.index_cast %add3A_374 : i32 to index
        %get3A_376 = tpu.vector_load %arg8[%get3A_375] {strides = array<i32>} : memref<10000xi32, #tpu.memory_space<vmem>>, vector<16xi32>,
        %get3A_377 = vector.shape_cast %get3A_376 : vector<16xi32> to vector<16xi32>
        %swap3A_378 = arith.constant 32 : index
        %swap3A_379 = tpu.vector_load %arg10[%swap3A_378] {strides = array<i32>} : memref<64xi32, #tpu.memory_space<vmem>>, vector<16xi32>,
        %swap3A_380 = vector.shape_cast %swap3A_379 : vector<16xi32> to vector<16xi32>
        %swap3A_381 = vector.shape_cast %get3A_377 : vector<16xi32> to vector<16xi32>
        tpu.vector_store %arg10[%swap3A_378], %swap3A_381 {strides = array<i32>} : memref<64xi32, #tpu.memory_space<vmem>>, vector<16xi32>,
        %add3A_382 = arith.constant 48 : i32
        %add3A_383 = arith.addi %mul3A_321, %add3A_382 : i32
        %get3A_384 = arith.index_cast %add3A_383 : i32 to index
        %get3A_385 = tpu.vector_load %arg7[%get3A_384] {strides = array<i32>} : memref<10000xi32, #tpu.memory_space<vmem>>, vector<16xi32>,
        %get3A_386 = vector.shape_cast %get3A_385 : vector<16xi32> to vector<16xi32>
        %add3A_387 = vector.broadcast %mul3A_109 : i32 to vector<16xi32>
        %add3A_388 = arith.addi %get3A_386, %add3A_387 : vector<16xi32>
        %swap3A_389 = arith.constant 48 : index
        %swap3A_390 = tpu.vector_load %arg9[%swap3A_389] {strides = array<i32>} : memref<64xi32, #tpu.memory_space<vmem>>, vector<16xi32>,
        %swap3A_391 = vector.shape_cast %swap3A_390 : vector<16xi32> to vector<16xi32>
        %swap3A_392 = vector.shape_cast %add3A_388 : vector<16xi32> to vector<16xi32>
        tpu.vector_store %arg9[%swap3A_389], %swap3A_392 {strides = array<i32>} : memref<64xi32, #tpu.memory_space<vmem>>, vector<16xi32>,
        %add3A_393 = arith.constant 48 : i32
        %add3A_394 = arith.addi %mul3A_321, %add3A_393 : i32
        %get3A_395 = arith.index_cast %add3A_394 : i32 to index
        %get3A_396 = tpu.vector_load %arg8[%get3A_395] {strides = array<i32>} : memref<10000xi32, #tpu.memory_space<vmem>>, vector<16xi32>,
        %get3A_397 = vector.shape_cast %get3A_396 : vector<16xi32> to vector<16xi32>
        %swap3A_398 = arith.constant 48 : index
        %swap3A_399 = tpu.vector_load %arg10[%swap3A_398] {strides = array<i32>} : memref<64xi32, #tpu.memory_space<vmem>>, vector<16xi32>,
        %swap3A_400 = vector.shape_cast %swap3A_399 : vector<16xi32> to vector<16xi32>
        %swap3A_401 = vector.shape_cast %get3A_397 : vector<16xi32> to vector<16xi32>
        tpu.vector_store %arg10[%swap3A_398], %swap3A_401 {strides = array<i32>} : memref<64xi32, #tpu.memory_space<vmem>>, vector<16xi32>,
        %dma_start3A_402 = arith.constant 0 : i32
        %dma_start3A_403 = arith.constant 0 : i32
        %dma_start3A_404 = tpu.memref_slice %arg2[%dma_start3A_402, %dma_start3A_403] : memref<40960x128xf32, #tpu.memory_space<hbm>> -> memref<40960x128xf32, #tpu.memory_space<hbm>>
        tpu.enqueue_indirect_dma source(%dma_start3A_404 : memref<40960x128xf32, #tpu.memory_space<hbm>>) target(%arg11 : memref<64x128xf32, #tpu.memory_space<vmem>>) offsets(%arg9 : memref<64xi32, #tpu.memory_space<vmem>>) semaphore(%arg16 : memref<!tpu.dma_semaphore, #tpu.memory_space<semaphore_mem>>)
      } else {
      }
      %dma_wait3A_312 = arith.constant 0 : i32
      %dma_wait3A_313 = arith.constant 0 : i32
      %dma_wait3A_314 = tpu.memref_slice %arg2[%dma_wait3A_312, %dma_wait3A_313] : memref<40960x128xf32, #tpu.memory_space<hbm>> -> memref<40960x128xf32, #tpu.memory_space<hbm>>
      tpu.wait_indirect_dma semaphore(%arg17 : memref<!tpu.dma_semaphore, #tpu.memory_space<semaphore_mem>>) src(%dma_wait3A_314 : memref<40960x128xf32, #tpu.memory_space<hbm>>) dst(%arg14 : memref<64x128xf32, #tpu.memory_space<vmem>>)
      "tpu.region"() ({
        %run_scoped3A = tpu.sem_alloc : memref<!tpu.dma_semaphore, #tpu.memory_space<semaphore_mem>>
        %dma_start3A_316 = arith.constant 0 : i32
        %dma_start3A_317 = arith.constant 0 : i32
        %dma_start3A_318 = tpu.memref_slice %arg15[%dma_start3A_316, %dma_start3A_317] : memref<10240x128xf32, #tpu.memory_space<vmem_shared>> -> memref<10240x128xf32, #tpu.memory_space<vmem_shared>>
        tpu.enqueue_indirect_dma source(%arg14 : memref<64x128xf32, #tpu.memory_space<vmem>>) target(%dma_start3A_318 : memref<10240x128xf32, #tpu.memory_space<vmem_shared>>) offsets(%arg13 : memref<64xi32, #tpu.memory_space<vmem>>) semaphore(%run_scoped3A : memref<!tpu.dma_semaphore, #tpu.memory_space<semaphore_mem>>) {add = true}
        %dma_wait3A_319 = arith.constant 0 : i32
        %dma_wait3A_320 = arith.constant 0 : i32
        %dma_wait3A_321 = tpu.memref_slice %arg15[%dma_wait3A_319, %dma_wait3A_320] : memref<10240x128xf32, #tpu.memory_space<vmem_shared>> -> memref<10240x128xf32, #tpu.memory_space<vmem_shared>>
        tpu.wait_indirect_dma semaphore(%run_scoped3A : memref<!tpu.dma_semaphore, #tpu.memory_space<semaphore_mem>>) src(%arg14 : memref<64x128xf32, #tpu.memory_space<vmem>>) dst(%dma_wait3A_321 : memref<10240x128xf32, #tpu.memory_space<vmem_shared>>)
        tpu.yield
      }) : () -> ()
      %scan3A_315 = arith.constant 0 : i32
      scf.yield %scan3A_315 : i32
    }
    %scan3A_188 = arith.constant 78 : i32
    %get3A_189 = arith.constant 9984 : index
    %get3A_190 = tpu.vector_load %arg7[%get3A_189] {strides = array<i32>} : memref<10000xi32, #tpu.memory_space<vmem>>, vector<16xi32>,
    %get3A_191 = vector.shape_cast %get3A_190 : vector<16xi32> to vector<16xi32>
    %add3A_192 = vector.broadcast %mul3A_109 : i32 to vector<16xi32>
    %add3A_193 = arith.addi %get3A_191, %add3A_192 : vector<16xi32>
    %get3A_194 = arith.constant 9984 : index
    %get3A_195 = tpu.vector_load %arg8[%get3A_194] {strides = array<i32>} : memref<10000xi32, #tpu.memory_space<vmem>>, vector<16xi32>,
    %get3A_196 = vector.shape_cast %get3A_195 : vector<16xi32> to vector<16xi32>
    %dma_start3A_197 = arith.constant 0 : i32
    %dma_start3A_198 = arith.constant 0 : i32
    %dma_start3A_199 = tpu.memref_slice %arg11[%dma_start3A_197, %dma_start3A_198] : memref<64x128xf32, #tpu.memory_space<vmem>> -> memref<16x128xf32, #tpu.memory_space<vmem>>
    %dma_start3A_200 = arith.constant 0 : i32
    %dma_start3A_201 = arith.constant 0 : i32
    %dma_start3A_202 = tpu.memref_slice %arg2[%dma_start3A_200, %dma_start3A_201] : memref<40960x128xf32, #tpu.memory_space<hbm>> -> memref<40960x128xf32, #tpu.memory_space<hbm>>
    tpu.enqueue_indirect_dma source(%dma_start3A_202 : memref<40960x128xf32, #tpu.memory_space<hbm>>) target(%dma_start3A_199 : memref<16x128xf32, #tpu.memory_space<vmem>>) offsets(%add3A_193 : vector<16xi32>) semaphore(%arg16 : memref<!tpu.dma_semaphore, #tpu.memory_space<semaphore_mem>>)
    %dma_wait3A_203 = arith.constant 0 : i32
    %dma_wait3A_204 = arith.constant 0 : i32
    %dma_wait3A_205 = tpu.memref_slice %arg11[%dma_wait3A_203, %dma_wait3A_204] : memref<64x128xf32, #tpu.memory_space<vmem>> -> memref<16x128xf32, #tpu.memory_space<vmem>>
    %dma_wait3A_206 = arith.constant 0 : i32
    %dma_wait3A_207 = arith.constant 0 : i32
    %dma_wait3A_208 = tpu.memref_slice %arg2[%dma_wait3A_206, %dma_wait3A_207] : memref<40960x128xf32, #tpu.memory_space<hbm>> -> memref<40960x128xf32, #tpu.memory_space<hbm>>
    tpu.wait_indirect_dma semaphore(%arg16 : memref<!tpu.dma_semaphore, #tpu.memory_space<semaphore_mem>>) src(%dma_wait3A_208 : memref<40960x128xf32, #tpu.memory_space<hbm>>) dst(%dma_wait3A_205 : memref<16x128xf32, #tpu.memory_space<vmem>>)
    "tpu.region"() ({
      %run_scoped3A = tpu.sem_alloc : memref<!tpu.dma_semaphore, #tpu.memory_space<semaphore_mem>>
      %dma_start3A_216 = arith.constant 0 : i32
      %dma_start3A_217 = arith.constant 0 : i32
      %dma_start3A_218 = tpu.memref_slice %arg11[%dma_start3A_216, %dma_start3A_217] : memref<64x128xf32, #tpu.memory_space<vmem>> -> memref<16x128xf32, #tpu.memory_space<vmem>>
      %dma_start3A_219 = arith.constant 0 : i32
      %dma_start3A_220 = arith.constant 0 : i32
      %dma_start3A_221 = tpu.memref_slice %arg15[%dma_start3A_219, %dma_start3A_220] : memref<10240x128xf32, #tpu.memory_space<vmem_shared>> -> memref<10240x128xf32, #tpu.memory_space<vmem_shared>>
      tpu.enqueue_indirect_dma source(%dma_start3A_218 : memref<16x128xf32, #tpu.memory_space<vmem>>) target(%dma_start3A_221 : memref<10240x128xf32, #tpu.memory_space<vmem_shared>>) offsets(%get3A_196 : vector<16xi32>) semaphore(%run_scoped3A : memref<!tpu.dma_semaphore, #tpu.memory_space<semaphore_mem>>) {add = true}
      %dma_wait3A_222 = arith.constant 0 : i32
      %dma_wait3A_223 = arith.constant 0 : i32
      %dma_wait3A_224 = tpu.memref_slice %arg11[%dma_wait3A_222, %dma_wait3A_223] : memref<64x128xf32, #tpu.memory_space<vmem>> -> memref<16x128xf32, #tpu.memory_space<vmem>>
      %dma_wait3A_225 = arith.constant 0 : i32
      %dma_wait3A_226 = arith.constant 0 : i32
      %dma_wait3A_227 = tpu.memref_slice %arg15[%dma_wait3A_225, %dma_wait3A_226] : memref<10240x128xf32, #tpu.memory_space<vmem_shared>> -> memref<10240x128xf32, #tpu.memory_space<vmem_shared>>
      tpu.wait_indirect_dma semaphore(%run_scoped3A : memref<!tpu.dma_semaphore, #tpu.memory_space<semaphore_mem>>) src(%dma_wait3A_224 : memref<16x128xf32, #tpu.memory_space<vmem>>) dst(%dma_wait3A_227 : memref<10240x128xf32, #tpu.memory_space<vmem_shared>>)
      tpu.yield
    }) : () -> ()
    %barrier3A_209 = arith.constant 0 : index
    tpu.barrier barrier_id(%barrier3A_209)
    %mul3A_210 = arith.constant 640 : i32
    %mul3A_211 = arith.muli %arg1, %mul3A_210 : i32
    %mul3A_212 = arith.constant 640 : i32
    %mul3A_213 = arith.muli %arg1, %mul3A_212 : i32
    %add3A_214 = arith.addi %mul3A_109, %mul3A_213 : i32
    "tpu.region"() ({
      %run_scoped3A = tpu.sem_alloc : memref<!tpu.dma_semaphore, #tpu.memory_space<semaphore_mem>>
      %dma_start3A_216 = arith.constant 0 : i32
      %dma_start3A_217 = tpu.memref_slice %arg6[%add3A_214, %dma_start3A_216] : memref<40960x128xf32, #tpu.memory_space<hbm>> -> memref<640x128xf32, #tpu.memory_space<hbm>>
      %dma_start3A_218 = arith.constant 0 : i32
      %dma_start3A_219 = tpu.memref_slice %arg15[%mul3A_211, %dma_start3A_218] : memref<10240x128xf32, #tpu.memory_space<vmem_shared>> -> memref<640x128xf32, #tpu.memory_space<vmem_shared>>
      tpu.enqueue_dma source(%dma_start3A_219 : memref<640x128xf32, #tpu.memory_space<vmem_shared>>) target(%dma_start3A_217 : memref<640x128xf32, #tpu.memory_space<hbm>>) target_semaphore(%run_scoped3A : memref<!tpu.dma_semaphore, #tpu.memory_space<semaphore_mem>>)
      %dma_wait3A_220 = arith.constant 0 : i32
      %dma_wait3A_221 = tpu.memref_slice %arg6[%add3A_214, %dma_wait3A_220] : memref<40960x128xf32, #tpu.memory_space<hbm>> -> memref<640x128xf32, #tpu.memory_space<hbm>>
      %dma_wait3A_222 = arith.constant 0 : i32
      %dma_wait3A_223 = tpu.memref_slice %arg15[%mul3A_211, %dma_wait3A_222] : memref<10240x128xf32, #tpu.memory_space<vmem_shared>> -> memref<640x128xf32, #tpu.memory_space<vmem_shared>>
      tpu.wait_dma2 semaphore(%run_scoped3A : memref<!tpu.dma_semaphore, #tpu.memory_space<semaphore_mem>>) src(%dma_wait3A_223 : memref<640x128xf32, #tpu.memory_space<vmem_shared>>) dst(%dma_wait3A_221 : memref<640x128xf32, #tpu.memory_space<hbm>>)
      tpu.yield
    }) : () -> ()
    %barrier3A_215 = arith.constant 0 : index
    tpu.barrier barrier_id(%barrier3A_215)
    return
  }
}

module attributes {stable_mosaic.version = 14 : i64} {
  func.func @body(%arg0: i32, %arg1: memref<256x256xf32, #tpu.memory_space<vmem>>, %arg2: memref<512x256xf32, #tpu.memory_space<vmem>>, %arg3: memref<1x512xf32, #tpu.memory_space<vmem>>, %arg4: memref<4x256x128xf32, #tpu.memory_space<vmem>>) attributes {dimension_semantics = [#tpu.dimension_semantics<arbitrary>], iteration_bounds = array<i64: 40>, scalar_prefetch = 0 : i64, scratch_operands = 0 : i64, tpu.core_type = #tpu.core_type<tc>, window_params = [{transform_indices = @transform_0, window_bounds = array<i64: 256, 256>}, {pipeline_mode = #tpu.pipeline_mode<synchronous>, transform_indices = @transform_1, window_bounds = array<i64: 512, 256>}, {pipeline_mode = #tpu.pipeline_mode<synchronous>, transform_indices = @transform_2, window_bounds = array<i64: 1, 512>}, {transform_indices = @transform_3, window_bounds = array<i64: 4, 256, 128>}]} {
    %get3A = arith.constant 0 : index
    %get3A_0 = arith.constant 0 : index
    %get3A_1 = vector.load %arg1[%get3A, %get3A_0] : memref<256x256xf32, #tpu.memory_space<vmem>>, vector<256x256xf32>
    %get3A_2 = arith.constant 0 : index
    %get3A_3 = arith.constant 0 : index
    %get3A_4 = vector.load %arg2[%get3A_2, %get3A_3] : memref<512x256xf32, #tpu.memory_space<vmem>>, vector<512x256xf32>
    %dot_general3A = arith.constant dense<0.000000e+00> : vector<256x512xf32>
    %dot_general3A_5 = tpu.matmul %get3A_1, %get3A_4, %dot_general3A {dimension_numbers = #tpu.dot_dimension_numbers<[1], [1], [0], [0], [0, 0, 1, 0], [], []>, transpose_lhs_hint = false} : vector<256x256xf32>, vector<512x256xf32>, vector<256x512xf32> -> vector<256x512xf32>
    %get3A_6 = arith.constant 0 : index
    %get3A_7 = arith.constant 0 : index
    %get3A_8 = vector.load %arg3[%get3A_6, %get3A_7] : memref<1x512xf32, #tpu.memory_space<vmem>>, vector<1x512xf32>
    %add3A = vector.broadcast %get3A_8 : vector<1x512xf32> to vector<256x512xf32>
    %add3A_9 = arith.addf %dot_general3A_5, %add3A : vector<256x512xf32>
    %max3A = arith.constant 0.000000e+00 : f32
    %max3A_10 = vector.broadcast %max3A : f32 to vector<256x512xf32>
    %max3A_11 = arith.maximumf %add3A_9, %max3A_10 : vector<256x512xf32>
    %slice3A = vector.extract_strided_slice %max3A_11 {offsets = [0, 0], sizes = [256, 128], strides = [1, 1]} : vector<256x512xf32> to vector<256x128xf32>
    %swap3A = arith.constant 0 : index
    %swap3A_12 = arith.constant 0 : index
    %swap3A_13 = arith.constant 0 : index
    %swap3A_14 = vector.load %arg4[%swap3A, %swap3A_12, %swap3A_13] : memref<4x256x128xf32, #tpu.memory_space<vmem>>, vector<1x256x128xf32>
    %swap3A_15 = vector.shape_cast %swap3A_14 : vector<1x256x128xf32> to vector<256x128xf32>
    %swap3A_16 = vector.shape_cast %slice3A : vector<256x128xf32> to vector<1x256x128xf32>
    tpu.vector_store %arg4[%swap3A, %swap3A_12, %swap3A_13], %swap3A_16 {strides = array<i32>} : memref<4x256x128xf32, #tpu.memory_space<vmem>>, vector<1x256x128xf32>,
    %slice3A_17 = vector.extract_strided_slice %max3A_11 {offsets = [0, 128], sizes = [256, 128], strides = [1, 1]} : vector<256x512xf32> to vector<256x128xf32>
    %swap3A_18 = arith.constant 1 : index
    %swap3A_19 = arith.constant 0 : index
    %swap3A_20 = arith.constant 0 : index
    %swap3A_21 = vector.load %arg4[%swap3A_18, %swap3A_19, %swap3A_20] : memref<4x256x128xf32, #tpu.memory_space<vmem>>, vector<1x256x128xf32>
    %swap3A_22 = vector.shape_cast %swap3A_21 : vector<1x256x128xf32> to vector<256x128xf32>
    %swap3A_23 = vector.shape_cast %slice3A_17 : vector<256x128xf32> to vector<1x256x128xf32>
    tpu.vector_store %arg4[%swap3A_18, %swap3A_19, %swap3A_20], %swap3A_23 {strides = array<i32>} : memref<4x256x128xf32, #tpu.memory_space<vmem>>, vector<1x256x128xf32>,
    %slice3A_24 = vector.extract_strided_slice %max3A_11 {offsets = [0, 256], sizes = [256, 128], strides = [1, 1]} : vector<256x512xf32> to vector<256x128xf32>
    %swap3A_25 = arith.constant 2 : index
    %swap3A_26 = arith.constant 0 : index
    %swap3A_27 = arith.constant 0 : index
    %swap3A_28 = vector.load %arg4[%swap3A_25, %swap3A_26, %swap3A_27] : memref<4x256x128xf32, #tpu.memory_space<vmem>>, vector<1x256x128xf32>
    %swap3A_29 = vector.shape_cast %swap3A_28 : vector<1x256x128xf32> to vector<256x128xf32>
    %swap3A_30 = vector.shape_cast %slice3A_24 : vector<256x128xf32> to vector<1x256x128xf32>
    tpu.vector_store %arg4[%swap3A_25, %swap3A_26, %swap3A_27], %swap3A_30 {strides = array<i32>} : memref<4x256x128xf32, #tpu.memory_space<vmem>>, vector<1x256x128xf32>,
    %slice3A_31 = vector.extract_strided_slice %max3A_11 {offsets = [0, 384], sizes = [256, 128], strides = [1, 1]} : vector<256x512xf32> to vector<256x128xf32>
    %swap3A_32 = arith.constant 3 : index
    %swap3A_33 = arith.constant 0 : index
    %swap3A_34 = arith.constant 0 : index
    %swap3A_35 = vector.load %arg4[%swap3A_32, %swap3A_33, %swap3A_34] : memref<4x256x128xf32, #tpu.memory_space<vmem>>, vector<1x256x128xf32>
    %swap3A_36 = vector.shape_cast %swap3A_35 : vector<1x256x128xf32> to vector<256x128xf32>
    %swap3A_37 = vector.shape_cast %slice3A_31 : vector<256x128xf32> to vector<1x256x128xf32>
    tpu.vector_store %arg4[%swap3A_32, %swap3A_33, %swap3A_34], %swap3A_37 {strides = array<i32>} : memref<4x256x128xf32, #tpu.memory_space<vmem>>, vector<1x256x128xf32>,
    return
  }
  func.func @transform_0(%arg0: i32) -> (i32, i32) {
    %c0_i32 = arith.constant 0 : i32
    %c0_i32_0 = arith.constant 0 : i32
    return %arg0, %c0_i32 : i32, i32
  }
  func.func @transform_1(%arg0: i32) -> (i32, i32) {
    %c0_i32 = arith.constant 0 : i32
    %c0_i32_0 = arith.constant 0 : i32
    %c0_i32_1 = arith.constant 0 : i32
    return %c0_i32, %c0_i32_0 : i32, i32
  }
  func.func @transform_2(%arg0: i32) -> (i32, i32) {
    %c0_i32 = arith.constant 0 : i32
    %c0_i32_0 = arith.constant 0 : i32
    %c0_i32_1 = arith.constant 0 : i32
    return %c0_i32, %c0_i32_0 : i32, i32
  }
  func.func @transform_3(%arg0: i32) -> (i32, i32, i32) {
    %c0_i32 = arith.constant 0 : i32
    %c0_i32_0 = arith.constant 0 : i32
    %c0_i32_1 = arith.constant 0 : i32
    return %c0_i32, %arg0, %c0_i32_0 : i32, i32, i32
  }
}

module attributes {stable_mosaic.version = 14 : i64} {
  func.func @body(%arg0: i32, %arg1: memref<256x128xf32, #tpu.memory_space<vmem>>, %arg2: memref<256x128xf32, #tpu.memory_space<vmem>>, %arg3: memref<256x128xf32, #tpu.memory_space<vmem>>, %arg4: memref<256x128xf32, #tpu.memory_space<vmem>>, %arg5: memref<256x256xf32, #tpu.memory_space<vmem>>, %arg6: memref<256x256xf32, #tpu.memory_space<vmem>>, %arg7: memref<256x256xf32, #tpu.memory_space<vmem>>, %arg8: memref<768x256xf32, #tpu.memory_space<vmem>>, %arg9: memref<1x768xf32, #tpu.memory_space<vmem>>, %arg10: memref<768x256xf32, #tpu.memory_space<vmem>>, %arg11: memref<1x768xf32, #tpu.memory_space<vmem>>, %arg12: memref<768x256xf32, #tpu.memory_space<vmem>>, %arg13: memref<1x768xf32, #tpu.memory_space<vmem>>, %arg14: memref<768x256xf32, #tpu.memory_space<vmem>>, %arg15: memref<1x768xf32, #tpu.memory_space<vmem>>, %arg16: memref<256x256xf32, #tpu.memory_space<vmem>>, %arg17: memref<1x256xf32, #tpu.memory_space<vmem>>, %arg18: memref<256x256xf32, #tpu.memory_space<vmem>>, %arg19: memref<1x256xf32, #tpu.memory_space<vmem>>, %arg20: memref<1x512xf32, #tpu.memory_space<vmem>>, %arg21: memref<1x512xf32, #tpu.memory_space<vmem>>, %arg22: memref<1x128xf32, #tpu.memory_space<vmem>>, %arg23: memref<256xf32, #tpu.memory_space<vmem>>, %arg24: memref<256x256xf32, #tpu.memory_space<vmem>>, %arg25: memref<256x256xf32, #tpu.memory_space<vmem>>, %arg26: memref<1x128xf32, #tpu.memory_space<vmem>>, %arg27: memref<1x512xf32, #tpu.memory_space<vmem>>) attributes {dimension_semantics = [#tpu.dimension_semantics<arbitrary>], iteration_bounds = array<i64: 40>, scalar_prefetch = 0 : i64, scratch_operands = 1 : i64, tpu.core_type = #tpu.core_type<tc>, window_params = [{transform_indices = @transform_0, window_bounds = array<i64: 256, 128>}, {transform_indices = @transform_1, window_bounds = array<i64: 256, 128>}, {transform_indices = @transform_2, window_bounds = array<i64: 256, 128>}, {transform_indices = @transform_3, window_bounds = array<i64: 256, 128>}, {transform_indices = @transform_4, window_bounds = array<i64: 256, 256>}, {transform_indices = @transform_5, window_bounds = array<i64: 256, 256>}, {transform_indices = @transform_6, window_bounds = array<i64: 256, 256>}, {pipeline_mode = #tpu.pipeline_mode<synchronous>, transform_indices = @transform_7, window_bounds = array<i64: 768, 256>}, {pipeline_mode = #tpu.pipeline_mode<synchronous>, transform_indices = @transform_8, window_bounds = array<i64: 1, 768>}, {pipeline_mode = #tpu.pipeline_mode<synchronous>, transform_indices = @transform_9, window_bounds = array<i64: 768, 256>}, {pipeline_mode = #tpu.pipeline_mode<synchronous>, transform_indices = @transform_10, window_bounds = array<i64: 1, 768>}, {pipeline_mode = #tpu.pipeline_mode<synchronous>, transform_indices = @transform_11, window_bounds = array<i64: 768, 256>}, {pipeline_mode = #tpu.pipeline_mode<synchronous>, transform_indices = @transform_12, window_bounds = array<i64: 1, 768>}, {pipeline_mode = #tpu.pipeline_mode<synchronous>, transform_indices = @transform_13, window_bounds = array<i64: 768, 256>}, {pipeline_mode = #tpu.pipeline_mode<synchronous>, transform_indices = @transform_14, window_bounds = array<i64: 1, 768>}, {pipeline_mode = #tpu.pipeline_mode<synchronous>, transform_indices = @transform_15, window_bounds = array<i64: 256, 256>}, {pipeline_mode = #tpu.pipeline_mode<synchronous>, transform_indices = @transform_16, window_bounds = array<i64: 1, 256>}, {pipeline_mode = #tpu.pipeline_mode<synchronous>, transform_indices = @transform_17, window_bounds = array<i64: 256, 256>}, {pipeline_mode = #tpu.pipeline_mode<synchronous>, transform_indices = @transform_18, window_bounds = array<i64: 1, 256>}, {pipeline_mode = #tpu.pipeline_mode<synchronous>, transform_indices = @transform_19, window_bounds = array<i64: 1, 512>}, {pipeline_mode = #tpu.pipeline_mode<synchronous>, transform_indices = @transform_20, window_bounds = array<i64: 1, 512>}, {pipeline_mode = #tpu.pipeline_mode<synchronous>, transform_indices = @transform_21, window_bounds = array<i64: 1, 128>}, {transform_indices = @transform_22, window_bounds = array<i64: 256>}, {transform_indices = @transform_23, window_bounds = array<i64: 256, 256>}, {transform_indices = @transform_24, window_bounds = array<i64: 256, 256>}, {pipeline_mode = #tpu.pipeline_mode<synchronous>, transform_indices = @transform_25, window_bounds = array<i64: 1, 128>}]} {
    %get3A = arith.constant 0 : index
    %get3A_0 = arith.constant 0 : index
    %get3A_1 = vector.load %arg5[%get3A, %get3A_0] : memref<256x256xf32, #tpu.memory_space<vmem>>, vector<256x256xf32>
    %get3A_2 = arith.constant 0 : index
    %get3A_3 = arith.constant 0 : index
    %get3A_4 = vector.load %arg1[%get3A_2, %get3A_3] : memref<256x128xf32, #tpu.memory_space<vmem>>, vector<256x128xf32>
    %get3A_5 = arith.constant 0 : index
    %get3A_6 = arith.constant 0 : index
    %get3A_7 = vector.load %arg2[%get3A_5, %get3A_6] : memref<256x128xf32, #tpu.memory_space<vmem>>, vector<256x128xf32>
    %concatenate3A = tpu.concatenate %get3A_4, %get3A_7 in 1 : vector<256x128xf32>, vector<256x128xf32> -> vector<256x256xf32>
    %get3A_8 = arith.constant 0 : index
    %get3A_9 = arith.constant 0 : index
    %get3A_10 = vector.load %arg3[%get3A_8, %get3A_9] : memref<256x128xf32, #tpu.memory_space<vmem>>, vector<256x128xf32>
    %get3A_11 = arith.constant 0 : index
    %get3A_12 = arith.constant 0 : index
    %get3A_13 = vector.load %arg4[%get3A_11, %get3A_12] : memref<256x128xf32, #tpu.memory_space<vmem>>, vector<256x128xf32>
    %concatenate3A_14 = tpu.concatenate %get3A_10, %get3A_13 in 1 : vector<256x128xf32>, vector<256x128xf32> -> vector<256x256xf32>
    %get3A_15 = arith.constant 0 : index
    %get3A_16 = arith.constant 0 : index
    %get3A_17 = vector.load %arg6[%get3A_15, %get3A_16] : memref<256x256xf32, #tpu.memory_space<vmem>>, vector<256x256xf32>
    %get3A_18 = arith.constant 0 : index
    %get3A_19 = arith.constant 0 : index
    %get3A_20 = vector.load %arg8[%get3A_18, %get3A_19] : memref<768x256xf32, #tpu.memory_space<vmem>>, vector<768x256xf32>
    %get3A_21 = arith.constant 0 : index
    %get3A_22 = arith.constant 0 : index
    %get3A_23 = vector.load %arg9[%get3A_21, %get3A_22] : memref<1x768xf32, #tpu.memory_space<vmem>>, vector<1x768xf32>
    %get3A_24 = arith.constant 0 : index
    %get3A_25 = arith.constant 0 : index
    %get3A_26 = vector.load %arg10[%get3A_24, %get3A_25] : memref<768x256xf32, #tpu.memory_space<vmem>>, vector<768x256xf32>
    %get3A_27 = arith.constant 0 : index
    %get3A_28 = arith.constant 0 : index
    %get3A_29 = vector.load %arg11[%get3A_27, %get3A_28] : memref<1x768xf32, #tpu.memory_space<vmem>>, vector<1x768xf32>
    %convert_element_type3A = arith.truncf %concatenate3A : vector<256x256xf32> to vector<256x256xbf16>
    %convert_element_type3A_30 = arith.truncf %get3A_20 : vector<768x256xf32> to vector<768x256xbf16>
    %dot_general3A = arith.constant dense<0.000000e+00> : vector<256x768xf32>
    %dot_general3A_31 = tpu.matmul %convert_element_type3A, %convert_element_type3A_30, %dot_general3A {dimension_numbers = #tpu.dot_dimension_numbers<[1], [1], [0], [0], [0, 0, 1, 0], [], []>, transpose_lhs_hint = false} : vector<256x256xbf16>, vector<768x256xbf16>, vector<256x768xf32> -> vector<256x768xf32>
    %add3A = vector.broadcast %get3A_23 : vector<1x768xf32> to vector<256x768xf32>
    %add3A_32 = arith.addf %dot_general3A_31, %add3A : vector<256x768xf32>
    %convert_element_type3A_33 = arith.truncf %get3A_17 : vector<256x256xf32> to vector<256x256xbf16>
    %convert_element_type3A_34 = arith.truncf %get3A_26 : vector<768x256xf32> to vector<768x256xbf16>
    %dot_general3A_35 = arith.constant dense<0.000000e+00> : vector<256x768xf32>
    %dot_general3A_36 = tpu.matmul %convert_element_type3A_33, %convert_element_type3A_34, %dot_general3A_35 {dimension_numbers = #tpu.dot_dimension_numbers<[1], [1], [0], [0], [0, 0, 1, 0], [], []>, transpose_lhs_hint = false} : vector<256x256xbf16>, vector<768x256xbf16>, vector<256x768xf32> -> vector<256x768xf32>
    %add3A_37 = vector.broadcast %get3A_29 : vector<1x768xf32> to vector<256x768xf32>
    %add3A_38 = arith.addf %dot_general3A_36, %add3A_37 : vector<256x768xf32>
    %slice3A = vector.extract_strided_slice %add3A_32 {offsets = [0, 0], sizes = [256, 256], strides = [1, 1]} : vector<256x768xf32> to vector<256x256xf32>
    %slice3A_39 = vector.extract_strided_slice %add3A_38 {offsets = [0, 0], sizes = [256, 256], strides = [1, 1]} : vector<256x768xf32> to vector<256x256xf32>
    %add3A_40 = arith.addf %slice3A, %slice3A_39 : vector<256x256xf32>
    %logistic3A = arith.negf %add3A_40 : vector<256x256xf32>
    %logistic3A_41 = math.exp %logistic3A : vector<256x256xf32>
    %logistic3A_42 = arith.constant 1.000000e+00 : f32
    %logistic3A_43 = vector.broadcast %logistic3A_42 : f32 to vector<256x256xf32>
    %logistic3A_44 = arith.addf %logistic3A_43, %logistic3A_41 : vector<256x256xf32>
    %logistic3A_45 = arith.divf %logistic3A_43, %logistic3A_44 : vector<256x256xf32>
    %slice3A_46 = vector.extract_strided_slice %add3A_32 {offsets = [0, 256], sizes = [256, 256], strides = [1, 1]} : vector<256x768xf32> to vector<256x256xf32>
    %slice3A_47 = vector.extract_strided_slice %add3A_38 {offsets = [0, 256], sizes = [256, 256], strides = [1, 1]} : vector<256x768xf32> to vector<256x256xf32>
    %add3A_48 = arith.addf %slice3A_46, %slice3A_47 : vector<256x256xf32>
    %logistic3A_49 = arith.negf %add3A_48 : vector<256x256xf32>
    %logistic3A_50 = math.exp %logistic3A_49 : vector<256x256xf32>
    %logistic3A_51 = arith.constant 1.000000e+00 : f32
    %logistic3A_52 = vector.broadcast %logistic3A_51 : f32 to vector<256x256xf32>
    %logistic3A_53 = arith.addf %logistic3A_52, %logistic3A_50 : vector<256x256xf32>
    %logistic3A_54 = arith.divf %logistic3A_52, %logistic3A_53 : vector<256x256xf32>
    %slice3A_55 = vector.extract_strided_slice %add3A_32 {offsets = [0, 512], sizes = [256, 256], strides = [1, 1]} : vector<256x768xf32> to vector<256x256xf32>
    %slice3A_56 = vector.extract_strided_slice %add3A_38 {offsets = [0, 512], sizes = [256, 256], strides = [1, 1]} : vector<256x768xf32> to vector<256x256xf32>
    %mul3A = arith.mulf %logistic3A_45, %slice3A_56 : vector<256x256xf32>
    %add3A_57 = arith.addf %slice3A_55, %mul3A : vector<256x256xf32>
    %tanh3A = math.tanh %add3A_57 : vector<256x256xf32>
    %sub3A = arith.constant 1.000000e+00 : f32
    %sub3A_58 = vector.broadcast %sub3A : f32 to vector<256x256xf32>
    %sub3A_59 = arith.subf %sub3A_58, %logistic3A_54 : vector<256x256xf32>
    %mul3A_60 = arith.mulf %sub3A_59, %tanh3A : vector<256x256xf32>
    %mul3A_61 = arith.mulf %logistic3A_54, %get3A_17 : vector<256x256xf32>
    %add3A_62 = arith.addf %mul3A_60, %mul3A_61 : vector<256x256xf32>
    %get3A_63 = arith.constant 0 : index
    %get3A_64 = arith.constant 0 : index
    %get3A_65 = vector.load %arg7[%get3A_63, %get3A_64] : memref<256x256xf32, #tpu.memory_space<vmem>>, vector<256x256xf32>
    %get3A_66 = arith.constant 0 : index
    %get3A_67 = arith.constant 0 : index
    %get3A_68 = vector.load %arg12[%get3A_66, %get3A_67] : memref<768x256xf32, #tpu.memory_space<vmem>>, vector<768x256xf32>
    %get3A_69 = arith.constant 0 : index
    %get3A_70 = arith.constant 0 : index
    %get3A_71 = vector.load %arg13[%get3A_69, %get3A_70] : memref<1x768xf32, #tpu.memory_space<vmem>>, vector<1x768xf32>
    %get3A_72 = arith.constant 0 : index
    %get3A_73 = arith.constant 0 : index
    %get3A_74 = vector.load %arg14[%get3A_72, %get3A_73] : memref<768x256xf32, #tpu.memory_space<vmem>>, vector<768x256xf32>
    %get3A_75 = arith.constant 0 : index
    %get3A_76 = arith.constant 0 : index
    %get3A_77 = vector.load %arg15[%get3A_75, %get3A_76] : memref<1x768xf32, #tpu.memory_space<vmem>>, vector<1x768xf32>
    %convert_element_type3A_78 = arith.truncf %concatenate3A_14 : vector<256x256xf32> to vector<256x256xbf16>
    %convert_element_type3A_79 = arith.truncf %get3A_68 : vector<768x256xf32> to vector<768x256xbf16>
    %dot_general3A_80 = arith.constant dense<0.000000e+00> : vector<256x768xf32>
    %dot_general3A_81 = tpu.matmul %convert_element_type3A_78, %convert_element_type3A_79, %dot_general3A_80 {dimension_numbers = #tpu.dot_dimension_numbers<[1], [1], [0], [0], [0, 0, 1, 0], [], []>, transpose_lhs_hint = false} : vector<256x256xbf16>, vector<768x256xbf16>, vector<256x768xf32> -> vector<256x768xf32>
    %add3A_82 = vector.broadcast %get3A_71 : vector<1x768xf32> to vector<256x768xf32>
    %add3A_83 = arith.addf %dot_general3A_81, %add3A_82 : vector<256x768xf32>
    %convert_element_type3A_84 = arith.truncf %get3A_65 : vector<256x256xf32> to vector<256x256xbf16>
    %convert_element_type3A_85 = arith.truncf %get3A_74 : vector<768x256xf32> to vector<768x256xbf16>
    %dot_general3A_86 = arith.constant dense<0.000000e+00> : vector<256x768xf32>
    %dot_general3A_87 = tpu.matmul %convert_element_type3A_84, %convert_element_type3A_85, %dot_general3A_86 {dimension_numbers = #tpu.dot_dimension_numbers<[1], [1], [0], [0], [0, 0, 1, 0], [], []>, transpose_lhs_hint = false} : vector<256x256xbf16>, vector<768x256xbf16>, vector<256x768xf32> -> vector<256x768xf32>
    %add3A_88 = vector.broadcast %get3A_77 : vector<1x768xf32> to vector<256x768xf32>
    %add3A_89 = arith.addf %dot_general3A_87, %add3A_88 : vector<256x768xf32>
    %slice3A_90 = vector.extract_strided_slice %add3A_83 {offsets = [0, 0], sizes = [256, 256], strides = [1, 1]} : vector<256x768xf32> to vector<256x256xf32>
    %slice3A_91 = vector.extract_strided_slice %add3A_89 {offsets = [0, 0], sizes = [256, 256], strides = [1, 1]} : vector<256x768xf32> to vector<256x256xf32>
    %add3A_92 = arith.addf %slice3A_90, %slice3A_91 : vector<256x256xf32>
    %logistic3A_93 = arith.negf %add3A_92 : vector<256x256xf32>
    %logistic3A_94 = math.exp %logistic3A_93 : vector<256x256xf32>
    %logistic3A_95 = arith.constant 1.000000e+00 : f32
    %logistic3A_96 = vector.broadcast %logistic3A_95 : f32 to vector<256x256xf32>
    %logistic3A_97 = arith.addf %logistic3A_96, %logistic3A_94 : vector<256x256xf32>
    %logistic3A_98 = arith.divf %logistic3A_96, %logistic3A_97 : vector<256x256xf32>
    %slice3A_99 = vector.extract_strided_slice %add3A_83 {offsets = [0, 256], sizes = [256, 256], strides = [1, 1]} : vector<256x768xf32> to vector<256x256xf32>
    %slice3A_100 = vector.extract_strided_slice %add3A_89 {offsets = [0, 256], sizes = [256, 256], strides = [1, 1]} : vector<256x768xf32> to vector<256x256xf32>
    %add3A_101 = arith.addf %slice3A_99, %slice3A_100 : vector<256x256xf32>
    %logistic3A_102 = arith.negf %add3A_101 : vector<256x256xf32>
    %logistic3A_103 = math.exp %logistic3A_102 : vector<256x256xf32>
    %logistic3A_104 = arith.constant 1.000000e+00 : f32
    %logistic3A_105 = vector.broadcast %logistic3A_104 : f32 to vector<256x256xf32>
    %logistic3A_106 = arith.addf %logistic3A_105, %logistic3A_103 : vector<256x256xf32>
    %logistic3A_107 = arith.divf %logistic3A_105, %logistic3A_106 : vector<256x256xf32>
    %slice3A_108 = vector.extract_strided_slice %add3A_83 {offsets = [0, 512], sizes = [256, 256], strides = [1, 1]} : vector<256x768xf32> to vector<256x256xf32>
    %slice3A_109 = vector.extract_strided_slice %add3A_89 {offsets = [0, 512], sizes = [256, 256], strides = [1, 1]} : vector<256x768xf32> to vector<256x256xf32>
    %mul3A_110 = arith.mulf %logistic3A_98, %slice3A_109 : vector<256x256xf32>
    %add3A_111 = arith.addf %slice3A_108, %mul3A_110 : vector<256x256xf32>
    %tanh3A_112 = math.tanh %add3A_111 : vector<256x256xf32>
    %sub3A_113 = arith.constant 1.000000e+00 : f32
    %sub3A_114 = vector.broadcast %sub3A_113 : f32 to vector<256x256xf32>
    %sub3A_115 = arith.subf %sub3A_114, %logistic3A_107 : vector<256x256xf32>
    %mul3A_116 = arith.mulf %sub3A_115, %tanh3A_112 : vector<256x256xf32>
    %mul3A_117 = arith.mulf %logistic3A_107, %get3A_65 : vector<256x256xf32>
    %add3A_118 = arith.addf %mul3A_116, %mul3A_117 : vector<256x256xf32>
    %swap3A = arith.constant 0 : index
    %swap3A_119 = arith.constant 0 : index
    %swap3A_120 = vector.load %arg24[%swap3A, %swap3A_119] : memref<256x256xf32, #tpu.memory_space<vmem>>, vector<256x256xf32>
    tpu.vector_store %arg24[%swap3A, %swap3A_119], %add3A_62 {strides = array<i32>} : memref<256x256xf32, #tpu.memory_space<vmem>>, vector<256x256xf32>,
    %swap3A_121 = arith.constant 0 : index
    %swap3A_122 = arith.constant 0 : index
    %swap3A_123 = vector.load %arg25[%swap3A_121, %swap3A_122] : memref<256x256xf32, #tpu.memory_space<vmem>>, vector<256x256xf32>
    tpu.vector_store %arg25[%swap3A_121, %swap3A_122], %add3A_118 {strides = array<i32>} : memref<256x256xf32, #tpu.memory_space<vmem>>, vector<256x256xf32>,
    %get3A_124 = arith.constant 0 : index
    %get3A_125 = arith.constant 0 : index
    %get3A_126 = vector.load %arg16[%get3A_124, %get3A_125] : memref<256x256xf32, #tpu.memory_space<vmem>>, vector<256x256xf32>
    %convert_element_type3A_127 = arith.truncf %add3A_62 : vector<256x256xf32> to vector<256x256xbf16>
    %convert_element_type3A_128 = arith.truncf %get3A_126 : vector<256x256xf32> to vector<256x256xbf16>
    %dot_general3A_129 = arith.constant dense<0.000000e+00> : vector<256x256xf32>
    %dot_general3A_130 = tpu.matmul %convert_element_type3A_127, %convert_element_type3A_128, %dot_general3A_129 {dimension_numbers = #tpu.dot_dimension_numbers<[1], [1], [0], [0], [0, 0, 1, 0], [], []>, transpose_lhs_hint = false} : vector<256x256xbf16>, vector<256x256xbf16>, vector<256x256xf32> -> vector<256x256xf32>
    %get3A_131 = arith.constant 0 : index
    %get3A_132 = arith.constant 0 : index
    %get3A_133 = vector.load %arg17[%get3A_131, %get3A_132] : memref<1x256xf32, #tpu.memory_space<vmem>>, vector<1x256xf32>
    %add3A_134 = vector.broadcast %get3A_133 : vector<1x256xf32> to vector<256x256xf32>
    %add3A_135 = arith.addf %dot_general3A_130, %add3A_134 : vector<256x256xf32>
    %max3A = arith.constant 0.000000e+00 : f32
    %max3A_136 = vector.broadcast %max3A : f32 to vector<256x256xf32>
    %max3A_137 = arith.maximumf %add3A_135, %max3A_136 : vector<256x256xf32>
    %get3A_138 = arith.constant 0 : index
    %get3A_139 = arith.constant 0 : index
    %get3A_140 = vector.load %arg18[%get3A_138, %get3A_139] : memref<256x256xf32, #tpu.memory_space<vmem>>, vector<256x256xf32>
    %convert_element_type3A_141 = arith.truncf %add3A_118 : vector<256x256xf32> to vector<256x256xbf16>
    %convert_element_type3A_142 = arith.truncf %get3A_140 : vector<256x256xf32> to vector<256x256xbf16>
    %dot_general3A_143 = arith.constant dense<0.000000e+00> : vector<256x256xf32>
    %dot_general3A_144 = tpu.matmul %convert_element_type3A_141, %convert_element_type3A_142, %dot_general3A_143 {dimension_numbers = #tpu.dot_dimension_numbers<[1], [1], [0], [0], [0, 0, 1, 0], [], []>, transpose_lhs_hint = false} : vector<256x256xbf16>, vector<256x256xbf16>, vector<256x256xf32> -> vector<256x256xf32>
    %get3A_145 = arith.constant 0 : index
    %get3A_146 = arith.constant 0 : index
    %get3A_147 = vector.load %arg19[%get3A_145, %get3A_146] : memref<1x256xf32, #tpu.memory_space<vmem>>, vector<1x256xf32>
    %add3A_148 = vector.broadcast %get3A_147 : vector<1x256xf32> to vector<256x256xf32>
    %add3A_149 = arith.addf %dot_general3A_144, %add3A_148 : vector<256x256xf32>
    %max3A_150 = arith.constant 0.000000e+00 : f32
    %max3A_151 = vector.broadcast %max3A_150 : f32 to vector<256x256xf32>
    %max3A_152 = arith.maximumf %add3A_149, %max3A_151 : vector<256x256xf32>
    %concatenate3A_153 = tpu.concatenate %get3A_1, %max3A_137 in 1 : vector<256x256xf32>, vector<256x256xf32> -> vector<256x512xf32>
    %concatenate3A_154 = tpu.concatenate %get3A_1, %max3A_152 in 1 : vector<256x256xf32>, vector<256x256xf32> -> vector<256x512xf32>
    %get3A_155 = arith.constant 0 : index
    %get3A_156 = arith.constant 0 : index
    %get3A_157 = vector.load %arg20[%get3A_155, %get3A_156] : memref<1x512xf32, #tpu.memory_space<vmem>>, vector<1x512xf32>
    %mul3A_158 = vector.broadcast %get3A_157 : vector<1x512xf32> to vector<256x512xf32>
    %mul3A_159 = arith.mulf %concatenate3A_153, %mul3A_158 : vector<256x512xf32>
    %reduce_sum3A = arith.constant dense<0.000000e+00> : vector<256xf32>
    %reduce_sum3A_160 = vector.multi_reduction <add>, %mul3A_159, %reduce_sum3A [1] : vector<256x512xf32> to vector<256xf32>
    %get3A_161 = arith.constant 0 : index
    %get3A_162 = arith.constant 0 : index
    %get3A_163 = vector.load %arg22[%get3A_161, %get3A_162] : memref<1x128xf32, #tpu.memory_space<vmem>>, vector<1x1xf32>
    %get3A_164 = vector.extract %get3A_163[0, 0] : f32 from vector<1x1xf32>
    %add3A_165 = vector.broadcast %get3A_164 : f32 to vector<256xf32>
    %add3A_166 = arith.addf %reduce_sum3A_160, %add3A_165 : vector<256xf32>
    %max3A_167 = arith.constant 0.000000e+00 : f32
    %max3A_168 = vector.broadcast %max3A_167 : f32 to vector<256xf32>
    %max3A_169 = arith.maximumf %add3A_166, %max3A_168 : vector<256xf32>
    %abs3A = math.absf %add3A_166 : vector<256xf32>
    %neg3A = arith.constant 0.000000e+00 : f32
    %neg3A_170 = vector.broadcast %neg3A : f32 to vector<256xf32>
    %neg3A_171 = arith.subf %neg3A_170, %abs3A : vector<256xf32>
    %exp3A = math.exp %neg3A_171 : vector<256xf32>
    %log1p3A = math.log1p %exp3A : vector<256xf32>
    %add3A_172 = arith.addf %max3A_169, %log1p3A : vector<256xf32>
    %swap3A_173 = arith.constant 0 : index
    %swap3A_174 = vector.load %arg23[%swap3A_173] : memref<256xf32, #tpu.memory_space<vmem>>, vector<256xf32>
    tpu.vector_store %arg23[%swap3A_173], %add3A_172 {strides = array<i32>} : memref<256xf32, #tpu.memory_space<vmem>>, vector<256xf32>,
    %mul3A_175 = arith.constant 256 : i32
    %mul3A_176 = arith.muli %arg0, %mul3A_175 : i32
    %iota3A = tpu.iota {dimensions = array<i32: 0>} : vector<256x1xi32>
    %add3A_177 = vector.broadcast %mul3A_176 : i32 to vector<256x1xi32>
    %add3A_178 = arith.addi %add3A_177, %iota3A : vector<256x1xi32>
    %lt3A = arith.constant 10000 : i32
    %lt3A_179 = vector.broadcast %lt3A : i32 to vector<256x1xi32>
    %lt3A_180 = arith.cmpi slt, %add3A_178, %lt3A_179 : vector<256x1xi32>
    %jit3A = arith.constant 0.000000e+00 : f32
    %broadcast_in_dim3A = vector.shape_cast %lt3A_180 : vector<256x1xi1> to vector<256x1xi1>
    %broadcast_in_dim3A_181 = vector.broadcast %broadcast_in_dim3A : vector<256x1xi1> to vector<256x512xi1>
    %broadcast_in_dim3A_182 = vector.broadcast %jit3A : f32 to vector<256x512xf32>
    %select_n3A = arith.select %broadcast_in_dim3A_181, %concatenate3A_154, %broadcast_in_dim3A_182 : vector<256x512xi1>, vector<256x512xf32>
    %reduce_sum3A_183 = arith.constant dense<0.000000e+00> : vector<512xf32>
    %reduce_sum3A_184 = vector.multi_reduction <add>, %select_n3A, %reduce_sum3A_183 [0] : vector<256x512xf32> to vector<512xf32>
    %broadcast_in_dim3A_185 = vector.shape_cast %reduce_sum3A_184 : vector<512xf32> to vector<1x512xf32>
    %eq3A = arith.constant 0 : i32
    %eq3A_186 = arith.cmpi eq, %arg0, %eq3A : i32
    %convert_element_type3A_187 = arith.extui %eq3A_186 : i1 to i32
    %cond3A = arith.constant 0 : i32
    %cond3A_188 = arith.cmpi ne, %convert_element_type3A_187, %cond3A : i32
    scf.if %cond3A_188 {
      %swap3A_198 = arith.constant 0 : index
      %swap3A_199 = arith.constant 0 : index
      %swap3A_200 = vector.load %arg27[%swap3A_198, %swap3A_199] : memref<1x512xf32, #tpu.memory_space<vmem>>, vector<1x512xf32>
      tpu.vector_store %arg27[%swap3A_198, %swap3A_199], %broadcast_in_dim3A_185 {strides = array<i32>} : memref<1x512xf32, #tpu.memory_space<vmem>>, vector<1x512xf32>,
    } else {
    }
    %gt3A = arith.constant 0 : i32
    %gt3A_189 = arith.cmpi sgt, %arg0, %gt3A : i32
    %convert_element_type3A_190 = arith.extui %gt3A_189 : i1 to i32
    %cond3A_191 = arith.constant 0 : i32
    %cond3A_192 = arith.cmpi ne, %convert_element_type3A_190, %cond3A_191 : i32
    scf.if %cond3A_192 {
      %get3A_198 = arith.constant 0 : index
      %get3A_199 = arith.constant 0 : index
      %get3A_200 = vector.load %arg27[%get3A_198, %get3A_199] : memref<1x512xf32, #tpu.memory_space<vmem>>, vector<1x512xf32>
      %add3A_201 = arith.addf %get3A_200, %broadcast_in_dim3A_185 : vector<1x512xf32>
      %swap3A_202 = arith.constant 0 : index
      %swap3A_203 = arith.constant 0 : index
      %swap3A_204 = vector.load %arg27[%swap3A_202, %swap3A_203] : memref<1x512xf32, #tpu.memory_space<vmem>>, vector<1x512xf32>
      tpu.vector_store %arg27[%swap3A_202, %swap3A_203], %add3A_201 {strides = array<i32>} : memref<1x512xf32, #tpu.memory_space<vmem>>, vector<1x512xf32>,
    } else {
    }
    %eq3A_193 = arith.constant 39 : i32
    %eq3A_194 = arith.cmpi eq, %arg0, %eq3A_193 : i32
    %convert_element_type3A_195 = arith.extui %eq3A_194 : i1 to i32
    %cond3A_196 = arith.constant 0 : i32
    %cond3A_197 = arith.cmpi ne, %convert_element_type3A_195, %cond3A_196 : i32
    scf.if %cond3A_197 {
      %get3A_198 = arith.constant 0 : index
      %get3A_199 = arith.constant 0 : index
      %get3A_200 = vector.load %arg27[%get3A_198, %get3A_199] : memref<1x512xf32, #tpu.memory_space<vmem>>, vector<1x512xf32>
      %get3A_201 = arith.constant 0 : index
      %get3A_202 = arith.constant 0 : index
      %get3A_203 = vector.load %arg21[%get3A_201, %get3A_202] : memref<1x512xf32, #tpu.memory_space<vmem>>, vector<1x512xf32>
      %mul3A_204 = arith.mulf %get3A_200, %get3A_203 : vector<1x512xf32>
      %reduce_sum3A_205 = vector.shape_cast %mul3A_204 : vector<1x512xf32> to vector<1x1x512xf32>
      %reduce_sum3A_206 = arith.constant dense<0.000000e+00> : vector<1xf32>
      %reduce_sum3A_207 = vector.multi_reduction <add>, %reduce_sum3A_205, %reduce_sum3A_206 [1, 2] : vector<1x1x512xf32> to vector<1xf32>
      %reduce_sum3A_208 = vector.shape_cast %reduce_sum3A_207 : vector<1xf32> to vector<1x1x1xf32>
      %reduce_sum3A_209 = vector.extract %reduce_sum3A_208[0, 0, 0] : f32 from vector<1x1x1xf32>
      %get3A_210 = arith.constant 0 : index
      %get3A_211 = arith.constant 1 : index
      %get3A_212 = vector.load %arg22[%get3A_210, %get3A_211] : memref<1x128xf32, #tpu.memory_space<vmem>>, vector<1x1xf32>
      %get3A_213 = vector.extract %get3A_212[0, 0] : f32 from vector<1x1xf32>
      %add3A_214 = arith.addf %reduce_sum3A_209, %get3A_213 : f32
      %broadcast_in_dim3A_215 = vector.broadcast %add3A_214 : f32 to vector<1x128xf32>
      %swap3A_216 = arith.constant 0 : index
      %swap3A_217 = arith.constant 0 : index
      %swap3A_218 = vector.load %arg26[%swap3A_216, %swap3A_217] : memref<1x128xf32, #tpu.memory_space<vmem>>, vector<1x128xf32>
      tpu.vector_store %arg26[%swap3A_216, %swap3A_217], %broadcast_in_dim3A_215 {strides = array<i32>} : memref<1x128xf32, #tpu.memory_space<vmem>>, vector<1x128xf32>,
    } else {
    }
    return
  }
  func.func @transform_0(%arg0: i32) -> (i32, i32) {
    %c0_i32 = arith.constant 0 : i32
    %c0_i32_0 = arith.constant 0 : i32
    return %arg0, %c0_i32 : i32, i32
  }
  func.func @transform_1(%arg0: i32) -> (i32, i32) {
    %c0_i32 = arith.constant 0 : i32
    %c0_i32_0 = arith.constant 0 : i32
    return %arg0, %c0_i32 : i32, i32
  }
  func.func @transform_2(%arg0: i32) -> (i32, i32) {
    %c0_i32 = arith.constant 0 : i32
    %c0_i32_0 = arith.constant 0 : i32
    return %arg0, %c0_i32 : i32, i32
  }
  func.func @transform_3(%arg0: i32) -> (i32, i32) {
    %c0_i32 = arith.constant 0 : i32
    %c0_i32_0 = arith.constant 0 : i32
    return %arg0, %c0_i32 : i32, i32
  }
  func.func @transform_4(%arg0: i32) -> (i32, i32) {
    %c0_i32 = arith.constant 0 : i32
    %c0_i32_0 = arith.constant 0 : i32
    return %arg0, %c0_i32 : i32, i32
  }
  func.func @transform_5(%arg0: i32) -> (i32, i32) {
    %c0_i32 = arith.constant 0 : i32
    %c0_i32_0 = arith.constant 0 : i32
    return %arg0, %c0_i32 : i32, i32
  }
  func.func @transform_6(%arg0: i32) -> (i32, i32) {
    %c0_i32 = arith.constant 0 : i32
    %c0_i32_0 = arith.constant 0 : i32
    return %arg0, %c0_i32 : i32, i32
  }
  func.func @transform_7(%arg0: i32) -> (i32, i32) {
    %c0_i32 = arith.constant 0 : i32
    %c0_i32_0 = arith.constant 0 : i32
    %c0_i32_1 = arith.constant 0 : i32
    return %c0_i32, %c0_i32_0 : i32, i32
  }
  func.func @transform_8(%arg0: i32) -> (i32, i32) {
    %c0_i32 = arith.constant 0 : i32
    %c0_i32_0 = arith.constant 0 : i32
    %c0_i32_1 = arith.constant 0 : i32
    return %c0_i32, %c0_i32_0 : i32, i32
  }
  func.func @transform_9(%arg0: i32) -> (i32, i32) {
    %c0_i32 = arith.constant 0 : i32
    %c0_i32_0 = arith.constant 0 : i32
    %c0_i32_1 = arith.constant 0 : i32
    return %c0_i32, %c0_i32_0 : i32, i32
  }
  func.func @transform_10(%arg0: i32) -> (i32, i32) {
    %c0_i32 = arith.constant 0 : i32
    %c0_i32_0 = arith.constant 0 : i32
    %c0_i32_1 = arith.constant 0 : i32
    return %c0_i32, %c0_i32_0 : i32, i32
  }
  func.func @transform_11(%arg0: i32) -> (i32, i32) {
    %c0_i32 = arith.constant 0 : i32
    %c0_i32_0 = arith.constant 0 : i32
    %c0_i32_1 = arith.constant 0 : i32
    return %c0_i32, %c0_i32_0 : i32, i32
  }
  func.func @transform_12(%arg0: i32) -> (i32, i32) {
    %c0_i32 = arith.constant 0 : i32
    %c0_i32_0 = arith.constant 0 : i32
    %c0_i32_1 = arith.constant 0 : i32
    return %c0_i32, %c0_i32_0 : i32, i32
  }
  func.func @transform_13(%arg0: i32) -> (i32, i32) {
    %c0_i32 = arith.constant 0 : i32
    %c0_i32_0 = arith.constant 0 : i32
    %c0_i32_1 = arith.constant 0 : i32
    return %c0_i32, %c0_i32_0 : i32, i32
  }
  func.func @transform_14(%arg0: i32) -> (i32, i32) {
    %c0_i32 = arith.constant 0 : i32
    %c0_i32_0 = arith.constant 0 : i32
    %c0_i32_1 = arith.constant 0 : i32
    return %c0_i32, %c0_i32_0 : i32, i32
  }
  func.func @transform_15(%arg0: i32) -> (i32, i32) {
    %c0_i32 = arith.constant 0 : i32
    %c0_i32_0 = arith.constant 0 : i32
    %c0_i32_1 = arith.constant 0 : i32
    return %c0_i32, %c0_i32_0 : i32, i32
  }
  func.func @transform_16(%arg0: i32) -> (i32, i32) {
    %c0_i32 = arith.constant 0 : i32
    %c0_i32_0 = arith.constant 0 : i32
    %c0_i32_1 = arith.constant 0 : i32
    return %c0_i32, %c0_i32_0 : i32, i32
  }
  func.func @transform_17(%arg0: i32) -> (i32, i32) {
    %c0_i32 = arith.constant 0 : i32
    %c0_i32_0 = arith.constant 0 : i32
    %c0_i32_1 = arith.constant 0 : i32
    return %c0_i32, %c0_i32_0 : i32, i32
  }
  func.func @transform_18(%arg0: i32) -> (i32, i32) {
    %c0_i32 = arith.constant 0 : i32
    %c0_i32_0 = arith.constant 0 : i32
    %c0_i32_1 = arith.constant 0 : i32
    return %c0_i32, %c0_i32_0 : i32, i32
  }
  func.func @transform_19(%arg0: i32) -> (i32, i32) {
    %c0_i32 = arith.constant 0 : i32
    %c0_i32_0 = arith.constant 0 : i32
    %c0_i32_1 = arith.constant 0 : i32
    return %c0_i32, %c0_i32_0 : i32, i32
  }
  func.func @transform_20(%arg0: i32) -> (i32, i32) {
    %c0_i32 = arith.constant 0 : i32
    %c0_i32_0 = arith.constant 0 : i32
    %c0_i32_1 = arith.constant 0 : i32
    return %c0_i32, %c0_i32_0 : i32, i32
  }
  func.func @transform_21(%arg0: i32) -> (i32, i32) {
    %c0_i32 = arith.constant 0 : i32
    %c0_i32_0 = arith.constant 0 : i32
    %c0_i32_1 = arith.constant 0 : i32
    return %c0_i32, %c0_i32_0 : i32, i32
  }
  func.func @transform_22(%arg0: i32) -> i32 {
    %c0_i32 = arith.constant 0 : i32
    return %arg0 : i32
  }
  func.func @transform_23(%arg0: i32) -> (i32, i32) {
    %c0_i32 = arith.constant 0 : i32
    %c0_i32_0 = arith.constant 0 : i32
    return %arg0, %c0_i32 : i32, i32
  }
  func.func @transform_24(%arg0: i32) -> (i32, i32) {
    %c0_i32 = arith.constant 0 : i32
    %c0_i32_0 = arith.constant 0 : i32
    return %arg0, %c0_i32 : i32, i32
  }
  func.func @transform_25(%arg0: i32) -> (i32, i32) {
    %c0_i32 = arith.constant 0 : i32
    %c0_i32_0 = arith.constant 0 : i32
    %c0_i32_1 = arith.constant 0 : i32
    return %c0_i32, %c0_i32_0 : i32, i32
  }
}

</mosaic_0001>

<sc_bundles>
// kernel: kernel.5.cloned.1.call-start
scs
__scs_entry_jumppad:
0x0: {  	(pc) =	sbr.rel $0x88, $3  }
0x1: {  	(tag) =	ssettag $0x0;
	lr =	simm.s32 $0x1  }
0x2: {  	[smem:$0x3F88] =	sst lr;
	_ =	strace $0xD0000000  }
0x3: {  	_ = 	snop  }
0x4: {  	_ = 	snop  }
0x5: {  	_ = 	snop  }
0x6: {  	_ = 	snop  }
0x7: {  	_ = 	snop  }
__scs_overlays_trampoline_lowered:
0x8: {  	[smem:$0x3F97] =	sst s0  }
0x9: {  	[smem:$0x3F98] =	sst s1  }
0xa: {  	[smem:$0x3F99] =	sst s2  }
0xb: {  	[smem:$0x3F9A] =	sst s3  }
0xc: {  	[smem:$0x3F9B] =	sst s4  }
0xd: {  	[smem:$0x3F9C] =	sst s5  }
0xe: {  	[smem:$0x3F9D] =	sst s6  }
0xf: {  	[smem:$0x3F9E] =	sst s7  }
0x10: {  	[smem:$0x3F9F] =	sst s8  }
0x11: {  	[smem:$0x3FA0] =	sst s9;
	s0 =	simm.s32 @!p0 $0x0  }
0x12: {  	s1 =	sld [smem:$0x3F86];
	s0 =	simm.s32 @p0 $0x1  }
0x13: {  	[smem:$0x3FA1] =	sst s0;
	s0 =	simm.s32 @!p1 $0x0  }
0x14: {  	s2 =	sld [smem:$0x3F85];
	s0 =	simm.s32 @p1 $0x1  }
0x15: {  	[smem:$0x3FA2] =	sst s0;
	s0 =	simm.s32 @!p2 $0x0  }
0x16: {  	s3 =	sld [smem:$0x3FDB];
	s0 =	simm.s32 @p2 $0x1  }
0x17: {  	s4 =	simm.s32 $0x1BF5;
	[smem:$0x3FA4] =	sst s0  }
0x18: {  	s0 =	sld [smem:$0x3F87];
	_ =	swait.ge [sflag:s4], $0x0  }
0x19: {  	s7 =	sld [smem:$0x3F88]  }
0x1a: {  	s8 =	sadd.s32 $0xFFFFE003, lr  }
0x1b: {  	s9 =	sadd.s32 $0xFFFFFEF7, lr;
	s5 =	simm.s32 $0xFFFFFFFF;
	p2 =	slt.u32 s8, $0xFFFFF086  }
0x1c: {  	p1 =	slt.u32 s9, $0xF7A;
	s5 =	simm.s32 @!p2 $0x0  }
0x1d: {  	s5 =	simm.s32 @p1 $0x1;
	p0 =	seq.s32 s7, s2  }
0x1e: {  	s7 =	smul.u32 @!p0 $0xF7A, s2;
	p2 =	seq.s32 @!p0 s5, $0x0  }
0x1f: {  	s9 =	smul.u32 $0xF7A, s1;
	s8 =	simm.s32 @!p0 $0x1BF5;
	p2 =	por !p2, p0  }
0x20: {  	[sflag:s8] =	ssyncset.s32 @!p0 $0xFFFFF086;
	s6 =	sadd.s32 @!p0 s3, s7;
	s7 =	simm.s32 @!p0 $0x108  }
0x21: {  	s3 =	sadd.s32 s3, s9;
	s6 =	sadd.s32 @!p0 $0x88, s6;
	s7 =	simm.s32 @p2 $0x1082  }
0x22: {  	[simem:s7], [sflag:s8] =	dma.local @!p0 [hbm:s6], $0xF7A  }
0x23: {  	s9 =	sor.u32 $0xD0000000, s2;
	s6 =	simm.s32 $0x108;
	_ =	swait.ge @!p0 [sflag:s8], $0x0  }
0x24: {  	s3 =	sadd.s32 $0x88, s3;
	s6 =	simm.s32 @!p1 $0x1082;
	[sflag:s4] =	ssyncset.s32 $0xFFFFF086  }
0x25: {  	[simem:s6], [sflag:s4] =	dma.local [hbm:s3], $0xF7A  }
0x26: {  	[smem:$0x3F88] =	sst s1;
	(tag) =	ssettag s2;
	_ =	strace s9  }
0x27: {  	s1 =	sld [smem:$0x3F98]  }
0x28: {  	s2 =	sld [smem:$0x3F99]  }
0x29: {  	s4 =	sld [smem:$0x3F9B]  }
0x2a: {  	p0 =	seq.s32 s5, $0x0;
	s5 =	sld [smem:$0x3F9C]  }
0x2b: {  	s6 =	sld [smem:$0x3F9D]  }
0x2c: {  	s7 =	sld [smem:$0x3F9E]  }
0x2d: {  	s3 =	simm.s32 $0x108;
	s8 =	sld [smem:$0x3F9F]  }
0x2e: {  	s3 =	simm.s32 @!p0 $0x1082;
	s9 =	sld [smem:$0x3FA0]  }
0x2f: {  	lr =	sadd.s32 s0, s3;
	s0 =	sld [smem:$0x3F97]  }
0x30: {  	s3 =	sld [smem:$0x3F9A]  }
0x31: {  	[smem:$0x3FA3] =	sst s10  }
0x32: {  	s10 =	sld [smem:$0x3FA1];
	_ =	sdelay $0x3  }
0x33: {  	p0 =	seq.s32 s10, $0x1;
	s10 =	sld [smem:$0x3FA3];
	_ =	sdelay $0x3  }
0x34: {  	[smem:$0x3FA3] =	sst s10  }
0x35: {  	s10 =	sld [smem:$0x3FA2];
	_ =	sdelay $0x3  }
0x36: {  	p1 =	seq.s32 s10, $0x1;
	s10 =	sld [smem:$0x3FA3];
	_ =	sdelay $0x3  }
0x37: {  	[smem:$0x3FA3] =	sst s10  }
0x38: {  	s10 =	sld [smem:$0x3FA4]  }
0x39: {  	_ = 	snop;
	(pc) =	sbr.ind lr, $3  }
0x3a: {  	_ = 	snop  }
0x3b: {  	_ = 	snop  }
0x3c: {  	p2 =	seq.s32 s10, $0x1;
	s10 =	sld [smem:$0x3FA3]  }
0x3d: {  	_ =	shalt  }
0x3e: {  	_ =	shalt  }
0x3f: {  	_ =	shalt  }
0x40: {  	_ =	shalt  }
0x41: {  	_ =	shalt  }
0x42: {  	_ =	shalt  }
0x43: {  	_ =	shalt  }
0x44: {  	_ =	shalt  }
0x45: {  	_ =	shalt  }
0x46: {  	_ =	shalt  }
0x47: {  	_ =	shalt  }
0x48: {  	_ =	shalt  }
0x49: {  	_ =	shalt  }
0x4a: {  	_ =	shalt  }
0x4b: {  	_ =	shalt  }
0x4c: {  	_ =	shalt  }
0x4d: {  	_ =	shalt  }
0x4e: {  	_ =	shalt  }
0x4f: {  	_ =	shalt  }
0x50: {  	_ =	shalt  }
0x51: {  	_ =	shalt  }
0x52: {  	_ =	shalt  }
0x53: {  	_ =	shalt  }
0x54: {  	_ =	shalt  }
0x55: {  	_ =	shalt  }
0x56: {  	_ =	shalt  }
0x57: {  	_ =	shalt  }
0x58: {  	_ =	shalt  }
0x59: {  	_ =	shalt  }
0x5a: {  	_ =	shalt  }
0x5b: {  	_ =	shalt  }
0x5c: {  	_ =	shalt  }
0x5d: {  	_ =	shalt  }
0x5e: {  	_ =	shalt  }
0x5f: {  	_ =	shalt  }
0x60: {  	_ =	shalt  }
0x61: {  	_ =	shalt  }
0x62: {  	_ =	shalt  }
0x63: {  	_ =	shalt  }
0x64: {  	_ =	shalt  }
0x65: {  	_ =	shalt  }
0x66: {  	_ =	shalt  }
0x67: {  	_ =	shalt  }
0x68: {  	_ =	shalt  }
0x69: {  	_ =	shalt  }
0x6a: {  	_ =	shalt  }
0x6b: {  	_ =	shalt  }
0x6c: {  	_ =	shalt  }
0x6d: {  	_ =	shalt  }
0x6e: {  	_ =	shalt  }
0x6f: {  	_ =	shalt  }
0x70: {  	_ =	shalt  }
0x71: {  	_ =	shalt  }
0x72: {  	_ =	shalt  }
0x73: {  	_ =	shalt  }
0x74: {  	_ =	shalt  }
0x75: {  	_ =	shalt  }
0x76: {  	_ =	shalt  }
0x77: {  	_ =	shalt  }
0x78: {  	_ =	shalt  }
0x79: {  	_ =	shalt  }
0x7a: {  	_ =	shalt  }
0x7b: {  	_ =	shalt  }
0x7c: {  	_ =	shalt  }
0x7d: {  	_ =	shalt  }
0x7e: {  	_ =	shalt  }
0x7f: {  	_ =	shalt  }
0x80: {  	_ =	shalt  }
0x81: {  	_ =	shalt  }
0x82: {  	_ =	shalt  }
0x83: {  	_ =	shalt  }
0x84: {  	_ =	shalt  }
0x85: {  	_ =	shalt  }
0x86: {  	_ =	shalt  }
0x87: {  	_ =	shalt  }
.Lfunc_end0:
.L_simem_size_0:
called_computation_lowered:
.L_overlay_start_0:
0x88: {  	s2 =	sld [smem:$0x3FD9]  }
0x89: {  	s3 =	sld [smem:$0x3FFE];
	_ =	sdelay $0x1  }
0x8a: {  	s1 =	srdreg.scid  }
0x8b: {  	s0 =	sand.u32 $0x1, s1  }
0x8c: {  	s14 =	sshll.u32 s0, $0xA;
	s2 =	sadd.s32 s3, s2  }
0x8d: {  	s2 =	sadd.s32 s2, s14  }
0x8e: {  	[smem:$0x3FAF] =	sst s2  }
0x8f: {  	_ = 	snop  }
0x90: {  	s2 =	sld [smem:$0x3FD0];
	_ =	sdelay $0x2  }
0x91: {  	s15 =	simm.s32 $0xA;
	s4 =	simm.s32 $0x10  }
0x92: {  	[smem:s4], [sflag:s15] =	dma.local [hbm:s2], $0x1  }
0x93: {  	_ =	swait.eq [sflag:s15], $0x1  }
0x94: {  	[sflag:s15] =	ssyncset.done $0x0  }
0x95: {  	s16 =	sld [smem:$0x12];
	[sflag:s15] =	ssyncadd.s32 $0xFFFFFFFF  }
0x96: {  	s17 =	sld [smem:$0x13];
	(tm) =	ssettm $0x1  }
0x97: {  	s18 =	sld [smem:$0x3FFB];
	_ =	sdelay $0x3  }
0x98: {  	_ =	strace s18  }
0x99: {  	s4 =	sld [smem:$0x3FFC];
	_ =	sdelay $0x3  }
0x9a: {  	_ =	strace s4  }
0x9b: {  	s4 =	sld [smem:$0x3FFD];
	_ =	sdelay $0x3  }
0x9c: {  	_ =	strace s4  }
0x9d: {  	_ =	strace $0x8FFFFFFF  }
0x9e: {  	s19 =	sld [smem:$0x3FDB];
	_ =	sdelay $0x1  }
0x9f: {  	s5 =	simm.s32 $_scs_section_size  }
0xa0: {  	s6 =	simm.s32 $_size__tile_overlayer_lowered;
	s7 =	simm.s32 $_tile_overlayer_lowered  }
0xa1: {  	s22 =	simm.s32 $0x1BFF;
	s21 =	sshll.u32 s7, $0x1;
	s4 =	sadd.s32 s5, s19  }
0xa2: {  	s8 =	simm.s32 $0x0;
	s20 =	sshll.u32 s6, $0x1;
	s6 =	sadd.s32 s21, s4  }
0xa3: {  	[timem:s8], [sflag:s22] =	dma.local [hbm:s6], s20  }
0xa4: {  	_ =	swait.ge [sflag:s22], s20  }
0xa5: {  	s5 =	ssub.s32 $0x0, s20;
	[sflag:s22] =	ssyncset.done $0x0  }
0xa6: {  	[sflag:s22] =	ssyncadd.s32 s5;
	_ =	sdelay $0x1  }
0xa7: {  	s23 =	simm.s32 $0x1B8B  }
0xa8: {  	_ =	swait.ge [sflag:s23], $0x1  }
0xa9: {  	[sflag:s23] =	ssyncset.done $0x0  }
0xaa: {  	s25 =	simm.s32 $0x1B8E;
	s24 =	sld [smem:$0x3FFE];
	[sflag:s23] =	ssyncadd.s32 $0xFFFFFFFF  }
0xab: {  	s26 =	simm.s32 $execute0_lowered;
	[smem:$0x3FD2] =	sst s25  }
0xac: {  	s6 =	sshll.u32 s26, $0x1;
	_ =	strace $0x80000046;
	[dreg:$0x1] =	wrdreg $0xFFFFFFFF  }
0xad: {  	s28 =	simm.s32 $_size_execute0_lowered;
	s4 =	sadd.s32 s4, s6;
	[dreg:$0x0] =	wrdreg $0x0  }
0xae: {  	s6 =	sshll.u32 s28, $0x1;
	[dreg:$0x2] =	wrdreg s4  }
0xaf: {  	[dreg:$0x3] =	wrdreg s6  }
0xb0: {  	[dreg:$0x4] =	wrdreg $0xC0  }
0xb1: {  	_ =	task [dreg:s8], $0x5FFFF  }
0xb2: {  	[dreg:$0x1] =	wrdreg $0xFFFFFFFF  }
0xb3: {  	[dreg:$0x0] =	wrdreg $0x60  }
0xb4: {  	[dreg:$0x2] =	wrdreg s24  }
0xb5: {  	[dreg:$0x3] =	wrdreg s16  }
0xb6: {  	[dreg:$0x4] =	wrdreg s17  }
0xb7: {  	[dreg:$0x5] =	wrdreg $0x91000  }
0xb8: {  	[dreg:$0x6] =	wrdreg $0x9  }
0xb9: {  	_ =	task.clear_ibuf [dreg:s8], $0x7FFFF;
	_ =	strace $0x90000046  }
0xba: {  	s29 =	simm.s32 $0x9;
	_ =	strace $0x80000048  }
0xbb: {  	_ =	swait.ge [sflag:s29], $0x1  }
0xbc: {  	[sflag:s29] =	ssyncadd.s32 $0xFFFFFFFF  }
0xbd: {  	_ =	strace $0x90000048  }
0xbe: {  	_ =	sfence  }
0xbf: {  	s30 =	sld [smem:$0x0];
	_ =	sdelay $0x2  }
0xc0: {  	s31 =	sshll.u32 s1, $0xD;
	s1 =	sshrl.u32 s1, $0x2  }
0xc1: {  	s3 =	sand.u32 $0x4000, s31;
	s1 =	sadd.s32 s1, s30  }
0xc2: {  	s0 =	sor.u32 s3, s0;
	s1 =	sshll.u32 s1, $0x11  }
0xc3: {  	s0 =	sor.u32 s1, s0  }
0xc4: {  	s0 =	sadd.s32 $0x8F2B, s0  }
0xc5: {  	[sflag:s0] =	ssyncadd.remote.s32 $0x1  }
0xc6: {  	_ =	sfence.sel $0xFFFF  }
0xc7: {  	[dreg:$0x0] =	wrdreg $0xFFFFFFFF;
	(pc) =	sbr.abs _section_cstart, $3  }
0xc8: {  	[dreg:$0x1] =	wrdreg $0xFFFFFFFF  }
0xc9: {  	_ =	task.clear_ibuf [dreg:s8], $0x2FFFF;
	_ =	strace $0x9FFFFFFF  }
0xca: {  	(tm) =	ssettm $0x7FFFFFFF  }
0xcb: {  	_ =	shalt  }
tec
execute0_lowered:
.L_overlay_start_1:
0x0: {  	(tag) =	ssettag $0x1  }
0x1: {  	s5 =	rddreg [dreg:$0x0]  }
0x2: {  	s6 =	rddreg [dreg:$0x1]  }
0x3: {  	s7 =	rddreg [dreg:$0x2]  }
0x4: {  	s2 =	rddreg [dreg:$0x3]  }
0x5: {  	s0 =	rddreg [dreg:$0x4]  }
0x6: {  	s3 =	simm.s32 $0x0;
	s1 =	stileid.u32;
	s4 =	srdreg.scid  }
0x7: {  	s15 =	simm.s32 $0x40;
	s16 =	simm.s32 $0x4F00;
	s17 =	simm.s32 $0x5000  }
0x8: {  	s18 =	simm.s32 $0x7000;
	s19 =	simm.s32 $0x7100;
	s8 =	smul.u32 $0x4E2, s1  }
0x9: {  	s20 =	simm.s32 $0x1;
	s21 =	simm.s32 $0x4F80;
	s25 =	smul.u32 $0x50000, s1  }
0xa: {  	[smem:$0x7FF] =	sst s3;
	s9 =	sand.u32 $0x1, s4;
	s26 =	smul.u32 $0x280, s1  }
0xb: {  	s4 =	sadd.s32 $0x58400, s5;
	s24 =	sadd.s32 $0xF8400, s5;
	s29 =	smul.u32 $0x2800, s1  }
0xc: {  	s13 =	sshll.u32 s1, $0x6;
	_ =	strace $0x80000047;
	s10 =	ssub.s32 $0x2, s9  }
0xd: {  	s22 =	smul.u32 $0x2800, s9;
	s13 =	sor.u32 $0x1C03, s13;
	s11 =	sadd.s32 s8, s5  }
0xe: {  	s12 =	sshrl.u32 s10, $0x1;
	s6 =	sadd.s32 s6, s8;
	s28 =	sshrl.u32 s25, $0x2  }
0xf: {  	s7 =	sadd.s32 s7, s29;
	s10 =	ssub.s32 s10, s12;
	s5 =	sadd.s32 $0x3400, s11  }
0x10: {  	s23 =	sadd.s32 $0x5000, s22;
	s14 =	sadd.s32 s28, s2;
	s30 =	sadd.s32 s26, s22  }
0x11: {  	s12 =	simm.s32 $0x2780;
	v0 =	vmov s22;
	s22 =	simm.s32 $0x2;
	s8 =	sadd.s32 s26, s23  }
0x12: {  	s11 =	sshll.u32 s30, $0x4;
	s10 =	smax.u32 s10, $0x1;
	s14 =	sshrl.u32 s14, $0x3  }
0x13: {  	v1 =	vmov s23;
	s23 =	simm.s32 $0x7080;
	s31 =	sshll.u32 s8, $0x4;
	s8 =	sadd.s32 s24, s11  }
0x14: {  	vm0 =	vmmov $0xffff;
	s11 =	simm.s32 $0x3;
	s9 =	sadd.s32 s24, s31;
	s24 =	simm.s32 $0x0  }
.LBB2_1:
0x15: {  	[tilespmem:s3], [sflag:$0x3] =	stream.linear.gather [hbm4b:s5+s3], $0x2710, $0x38;
	[tilespmem:$0x1D100] =	vst v63  }
0x16: {  	_ =	swait.ge [sflag:s11], $0x2710  }
0x17: {  	[sflag:s11] =	ssyncset.done $0x0  }
0x18: {  	[sflag:s11] =	ssyncadd.s32 $0xFFFFD8F0  }
0x19: {  	[tilespmem:s12], [sflag:$0x3] =	stream.linear.gather [hbm4b:s6+s3], $0x2710, $0x38;
	[tilespmem:$0x1D100] =	vst v63  }
0x1a: {  	_ =	swait.ge [sflag:s11], $0x2710  }
0x1b: {  	[sflag:s11] =	ssyncset.done $0x0  }
0x1c: {  	[sflag:s11] =	ssyncadd.s32 $0xFFFFD8F0  }
0x1d: {  	[spmem:s14], [sflag:s13] =	dma.local [hbm:s7], $0x2800  }
0x1e: {  	_ =	swait.ge [sflag:s11], $0x2800  }
0x1f: {  	[sflag:s11] =	ssyncset.done $0x0  }
0x20: {  	[sflag:s11] =	ssyncadd.s32 $0xFFFFD800  }
0x21: {  	[bflag:$0x0] =	sbarrier.arrive $0xFFFF  }
0x22: {  	v2 =	vld [tilespmem:$0x0]  }
0x23: {  	v3 =	vld [tilespmem:$0x2780]  }
0x24: {  	v4 =	vld [tilespmem:$0x10];
	_ =	sdelay $0x1  }
0x25: {  	v5 =	vld [tilespmem:$0x2790]  }
0x26: {  	v6 =	vld [tilespmem:$0x20]  }
0x27: {  	v7 =	vld [tilespmem:$0x27A0];
	v2 =	vadd.s32 v0, v2;
	[tilespmem:$0x4F80] =	vst v3  }
0x28: {  	v3 =	vadd.s32 v0, v4;
	[tilespmem:$0x4F00] =	vst v2;
	v2 =	vld [tilespmem:$0x30]  }
0x29: {  	[tilespmem:$0x4F10] =	vst v3;
	v3 =	vld [tilespmem:$0x27B0];
	_ =	sdelay $0x1  }
0x2a: {  	[tilespmem:$0x4F90] =	vst v5  }
0x2b: {  	v63 =	vadd.s32 v0, v6;
	[tilespmem:$0x4FA0] =	vst v7  }
0x2c: {  	[tilespmem:$0x4F20] =	vst v63  }
0x2d: {  	v2 =	vadd.s32 v0, v2;
	[tilespmem:$0x4FB0] =	vst v3  }
0x2e: {  	s25 =	simm.s32 $0x0;
	[tilespmem:$0x4F30] =	vst v2  }
0x2f: {  	[tilespmem:s17], [sflag:$0x1] =	stream.indirect.gather [hbm4b:s4+s15], $0x80, s16, s15, $0xb8;
	[tilespmem:$0x1D100] =	vst v63  }
0x30: {  	v2 =	vld [tilespmem:s25+$0x40];
	_ =	sdelay $0x4  }
0x31: {  	v2 =	vadd.s32 v0, v2  }
0x32: {  	[tilespmem:$0x7000] =	vst v2  }
0x33: {  	v2 =	vld [tilespmem:s25+$0x27C0];
	_ =	sdelay $0x4  }
0x34: {  	[tilespmem:$0x7080] =	vst v2  }
0x35: {  	v2 =	vld [tilespmem:s25+$0x50];
	_ =	sdelay $0x4  }
0x36: {  	v2 =	vadd.s32 v0, v2  }
0x37: {  	[tilespmem:$0x7010] =	vst v2  }
0x38: {  	v2 =	vld [tilespmem:s25+$0x27D0];
	_ =	sdelay $0x4  }
0x39: {  	[tilespmem:$0x7090] =	vst v2  }
0x3a: {  	v2 =	vld [tilespmem:s25+$0x60];
	_ =	sdelay $0x4  }
0x3b: {  	v2 =	vadd.s32 v0, v2  }
0x3c: {  	[tilespmem:$0x7020] =	vst v2  }
0x3d: {  	v2 =	vld [tilespmem:s25+$0x27E0];
	_ =	sdelay $0x4  }
0x3e: {  	[tilespmem:$0x70A0] =	vst v2  }
0x3f: {  	v2 =	vld [tilespmem:s25+$0x70];
	_ =	sdelay $0x4  }
0x40: {  	v2 =	vadd.s32 v0, v2  }
0x41: {  	[tilespmem:$0x7030] =	vst v2  }
0x42: {  	v2 =	vld [tilespmem:s25+$0x27F0];
	_ =	sdelay $0x4  }
0x43: {  	[tilespmem:$0x70B0] =	vst v2  }
0x44: {  	[tilespmem:s19], [sflag:$0x2] =	stream.indirect.gather [hbm4b:s4+s15], $0x80, s18, s15, $0xb8;
	[tilespmem:$0x1D100] =	vst v63  }
0x45: {  	_ =	swait.ge [sflag:s20], $0x2000  }
0x46: {  	[sflag:s20] =	ssyncset.done $0x0  }
0x47: {  	[sflag:s20] =	ssyncadd.s32 $0xFFFFE000  }
0x48: {  	[spmem:s2] =	stream.indirect.scatter.add.f32 [tilespmem:s17], [sflag:$0x3], $0x80, s21, s15, $0xb8;
	[tilespmem:$0x1D100] =	vst v63  }
0x49: {  	_ =	swait.ge [sflag:s11], $0x2000  }
0x4a: {  	p0 =	por $0x0, $0x0;
	[sflag:s11] =	ssyncset.done $0x0  }
0x4b: {  	s25 =	simm.s32 @!p0 $0x0;
	[sflag:s11] =	ssyncadd.s32 $0xFFFFE000  }
0x4c: {  	v2 =	vld @!p0 [tilespmem:s25+$0x80];
	_ =	sdelay $0x4  }
0x4d: {  	v2 =	vadd.s32 @!p0 v0, v2  }
0x4e: {  	[tilespmem:$0x4F00] =	vst @!p0 v2  }
0x4f: {  	v2 =	vld @!p0 [tilespmem:s25+$0x2800];
	_ =	sdelay $0x4  }
0x50: {  	[tilespmem:$0x4F80] =	vst @!p0 v2  }
0x51: {  	v2 =	vld @!p0 [tilespmem:s25+$0x90];
	_ =	sdelay $0x4  }
0x52: {  	v2 =	vadd.s32 @!p0 v0, v2  }
0x53: {  	[tilespmem:$0x4F10] =	vst @!p0 v2  }
0x54: {  	v2 =	vld @!p0 [tilespmem:s25+$0x2810];
	_ =	sdelay $0x4  }
0x55: {  	[tilespmem:$0x4F90] =	vst @!p0 v2  }
0x56: {  	v2 =	vld @!p0 [tilespmem:s25+$0xA0];
	_ =	sdelay $0x4  }
0x57: {  	v2 =	vadd.s32 @!p0 v0, v2  }
0x58: {  	[tilespmem:$0x4F20] =	vst @!p0 v2  }
0x59: {  	v2 =	vld @!p0 [tilespmem:s25+$0x2820];
	_ =	sdelay $0x4  }
0x5a: {  	[tilespmem:$0x4FA0] =	vst @!p0 v2  }
0x5b: {  	v2 =	vld @!p0 [tilespmem:s25+$0xB0];
	_ =	sdelay $0x4  }
0x5c: {  	v2 =	vadd.s32 @!p0 v0, v2  }
0x5d: {  	[tilespmem:$0x4F30] =	vst @!p0 v2  }
0x5e: {  	v2 =	vld @!p0 [tilespmem:s25+$0x2830];
	_ =	sdelay $0x4  }
0x5f: {  	s26 =	simm.s32 @!p0 $0x4F00;
	s28 =	simm.s32 @!p0 $0x5000;
	s25 =	simm.s32 @!p0 $0x40;
	[tilespmem:$0x4FB0] =	vst @!p0 v2  }
0x60: {  	[tilespmem:s28], [sflag:$0x1] =	stream.indirect.gather @!p0 [hbm4b:s4+s25], $0x80, s26, s25, $0xb8;
	[tilespmem:$0x1D100] =	vst v63  }
0x61: {  	_ =	swait.ge [sflag:s22], $0x2000  }
0x62: {  	[sflag:s22] =	ssyncset.done $0x0  }
0x63: {  	[sflag:s22] =	ssyncadd.s32 $0xFFFFE000  }
0x64: {  	[spmem:s2] =	stream.indirect.scatter.add.f32 [tilespmem:s19], [sflag:$0x3], $0x80, s23, s15, $0xb8;
	[tilespmem:$0x1D100] =	vst v63  }
0x65: {  	_ =	swait.ge [sflag:s11], $0x2000  }
0x66: {  	s25 =	simm.s32 $0x200;
	s26 =	simm.s32 $0x400;
	[sflag:s11] =	ssyncset.done $0x0  }
.LBB2_2:
0x67: {  	s29 =	sshra.s32 s25, $0x2  }
0x68: {  	[sflag:s11] =	ssyncadd.s32 $0xFFFFE000;
	s28 =	smov.u32 s26;
	s26 =	sadd.s32 $0x200, s26  }
0x69: {  	p0 =	sne.s32 s26, $0x9C00;
	v2 =	vld [tilespmem:s29+$0x40];
	_ =	sdelay $0x4  }
0x6a: {  	v2 =	vadd.s32 v0, v2  }
0x6b: {  	[tilespmem:$0x7000] =	vst v2  }
0x6c: {  	v2 =	vld [tilespmem:s29+$0x27C0];
	_ =	sdelay $0x4  }
0x6d: {  	[tilespmem:$0x7080] =	vst v2  }
0x6e: {  	v2 =	vld [tilespmem:s29+$0x50];
	_ =	sdelay $0x4  }
0x6f: {  	v2 =	vadd.s32 v0, v2  }
0x70: {  	[tilespmem:$0x7010] =	vst v2  }
0x71: {  	v2 =	vld [tilespmem:s29+$0x27D0];
	_ =	sdelay $0x4  }
0x72: {  	[tilespmem:$0x7090] =	vst v2  }
0x73: {  	v2 =	vld [tilespmem:s29+$0x60];
	_ =	sdelay $0x4  }
0x74: {  	v2 =	vadd.s32 v0, v2  }
0x75: {  	[tilespmem:$0x7020] =	vst v2  }
0x76: {  	v2 =	vld [tilespmem:s29+$0x27E0];
	_ =	sdelay $0x4  }
0x77: {  	[tilespmem:$0x70A0] =	vst v2  }
0x78: {  	v2 =	vld [tilespmem:s29+$0x70];
	_ =	sdelay $0x4  }
0x79: {  	v2 =	vadd.s32 v0, v2  }
0x7a: {  	[tilespmem:$0x7030] =	vst v2  }
0x7b: {  	v2 =	vld [tilespmem:s29+$0x27F0];
	_ =	sdelay $0x4  }
0x7c: {  	[tilespmem:$0x70B0] =	vst v2  }
0x7d: {  	[tilespmem:s19], [sflag:$0x2] =	stream.indirect.gather [hbm4b:s4+s15], $0x80, s18, s15, $0xb8;
	[tilespmem:$0x1D100] =	vst v63  }
0x7e: {  	_ =	swait.ge [sflag:s20], $0x2000  }
0x7f: {  	[sflag:s20] =	ssyncset.done $0x0  }
0x80: {  	[sflag:s20] =	ssyncadd.s32 $0xFFFFE000  }
0x81: {  	[spmem:s2] =	stream.indirect.scatter.add.f32 [tilespmem:s17], [sflag:$0x3], $0x80, s21, s15, $0xb8;
	[tilespmem:$0x1D100] =	vst v63  }
0x82: {  	_ =	swait.ge [sflag:s11], $0x2000  }
0x83: {  	p1 =	seq.s32 s25, $0x9A00;
	[sflag:s11] =	ssyncset.done $0x0  }
0x84: {  	s29 =	sshra.s32 @!p1 s25, $0x2;
	s25 =	smov.u32 s28;
	[sflag:s11] =	ssyncadd.s32 $0xFFFFE000  }
0x85: {  	v2 =	vld @!p1 [tilespmem:s29+$0x80];
	_ =	sdelay $0x4  }
0x86: {  	v2 =	vadd.s32 @!p1 v0, v2  }
0x87: {  	[tilespmem:$0x4F00] =	vst @!p1 v2  }
0x88: {  	v2 =	vld @!p1 [tilespmem:s29+$0x2800];
	_ =	sdelay $0x4  }
0x89: {  	[tilespmem:$0x4F80] =	vst @!p1 v2  }
0x8a: {  	v2 =	vld @!p1 [tilespmem:s29+$0x90];
	_ =	sdelay $0x4  }
0x8b: {  	v2 =	vadd.s32 @!p1 v0, v2  }
0x8c: {  	[tilespmem:$0x4F10] =	vst @!p1 v2  }
0x8d: {  	v2 =	vld @!p1 [tilespmem:s29+$0x2810];
	_ =	sdelay $0x4  }
0x8e: {  	[tilespmem:$0x4F90] =	vst @!p1 v2  }
0x8f: {  	v2 =	vld @!p1 [tilespmem:s29+$0xA0];
	_ =	sdelay $0x4  }
0x90: {  	v2 =	vadd.s32 @!p1 v0, v2  }
0x91: {  	[tilespmem:$0x4F20] =	vst @!p1 v2  }
0x92: {  	v2 =	vld @!p1 [tilespmem:s29+$0x2820];
	_ =	sdelay $0x4  }
0x93: {  	[tilespmem:$0x4FA0] =	vst @!p1 v2  }
0x94: {  	v2 =	vld @!p1 [tilespmem:s29+$0xB0];
	_ =	sdelay $0x4  }
0x95: {  	v2 =	vadd.s32 @!p1 v0, v2  }
0x96: {  	[tilespmem:$0x4F30] =	vst @!p1 v2  }
0x97: {  	v2 =	vld @!p1 [tilespmem:s29+$0x2830];
	_ =	sdelay $0x4  }
0x98: {  	s30 =	simm.s32 @!p1 $0x5000;
	s28 =	simm.s32 @!p1 $0x40;
	s29 =	simm.s32 @!p1 $0x4F00;
	[tilespmem:$0x4FB0] =	vst @!p1 v2  }
0x99: {  	[tilespmem:s30], [sflag:$0x1] =	stream.indirect.gather @!p1 [hbm4b:s4+s28], $0x80, s29, s28, $0xb8;
	[tilespmem:$0x1D100] =	vst v63  }
0x9a: {  	_ =	swait.ge [sflag:s22], $0x2000  }
.Ltmp0:
0x9b: {  	[sflag:s22] =	ssyncset.done $0x0;
	(pc) =	sbr.rel @p0 .LBB2_2-.Ltmp0, $4  }
0x9c: {  	[sflag:s22] =	ssyncadd.s32 $0xFFFFE000  }
0x9d: {  	[spmem:s2] =	stream.indirect.scatter.add.f32 [tilespmem:s19], [sflag:$0x3], $0x80, s23, s15, $0xb8;
	[tilespmem:$0x1D100] =	vst v63  }
0x9e: {  	_ =	swait.ge [sflag:s11], $0x2000  }
0x9f: {  	[sflag:s11] =	ssyncset.done $0x0  }
0xa0: {  	s26 =	sshra.s32 s25, $0x2;
	[sflag:s11] =	ssyncadd.s32 $0xFFFFE000  }
0xa1: {  	v2 =	vld [tilespmem:s26+$0x40];
	_ =	sdelay $0x4  }
0xa2: {  	v2 =	vadd.s32 v0, v2  }
0xa3: {  	[tilespmem:$0x7000] =	vst v2  }
0xa4: {  	v2 =	vld [tilespmem:s26+$0x27C0];
	_ =	sdelay $0x4  }
0xa5: {  	[tilespmem:$0x7080] =	vst v2  }
0xa6: {  	v2 =	vld [tilespmem:s26+$0x50];
	_ =	sdelay $0x4  }
0xa7: {  	v2 =	vadd.s32 v0, v2  }
0xa8: {  	[tilespmem:$0x7010] =	vst v2  }
0xa9: {  	v2 =	vld [tilespmem:s26+$0x27D0];
	_ =	sdelay $0x4  }
0xaa: {  	[tilespmem:$0x7090] =	vst v2  }
0xab: {  	v2 =	vld [tilespmem:s26+$0x60];
	_ =	sdelay $0x4  }
0xac: {  	v2 =	vadd.s32 v0, v2  }
0xad: {  	[tilespmem:$0x7020] =	vst v2  }
0xae: {  	v2 =	vld [tilespmem:s26+$0x27E0];
	_ =	sdelay $0x4  }
0xaf: {  	[tilespmem:$0x70A0] =	vst v2  }
0xb0: {  	v2 =	vld [tilespmem:s26+$0x70];
	_ =	sdelay $0x4  }
0xb1: {  	v2 =	vadd.s32 v0, v2  }
0xb2: {  	[tilespmem:$0x7030] =	vst v2  }
0xb3: {  	v2 =	vld [tilespmem:s26+$0x27F0];
	_ =	sdelay $0x4  }
0xb4: {  	[tilespmem:$0x70B0] =	vst v2  }
0xb5: {  	[tilespmem:s19], [sflag:$0x2] =	stream.indirect.gather [hbm4b:s4+s15], $0x80, s18, s15, $0xb8;
	[tilespmem:$0x1D100] =	vst v63  }
0xb6: {  	_ =	swait.ge [sflag:s20], $0x2000  }
0xb7: {  	[sflag:s20] =	ssyncset.done $0x0  }
0xb8: {  	[sflag:s20] =	ssyncadd.s32 $0xFFFFE000  }
0xb9: {  	[spmem:s2] =	stream.indirect.scatter.add.f32 [tilespmem:s17], [sflag:$0x3], $0x80, s21, s15, $0xb8;
	[tilespmem:$0x1D100] =	vst v63  }
0xba: {  	_ =	swait.ge [sflag:s11], $0x2000  }
0xbb: {  	p0 =	seq.s32 s25, $0x9A00;
	[sflag:s11] =	ssyncset.done $0x0  }
0xbc: {  	s25 =	sshra.s32 @!p0 s25, $0x2;
	[sflag:s11] =	ssyncadd.s32 $0xFFFFE000  }
0xbd: {  	v2 =	vld @!p0 [tilespmem:s25+$0x80];
	_ =	sdelay $0x4  }
0xbe: {  	v2 =	vadd.s32 @!p0 v0, v2  }
0xbf: {  	[tilespmem:$0x4F00] =	vst @!p0 v2  }
0xc0: {  	v2 =	vld @!p0 [tilespmem:s25+$0x2800];
	_ =	sdelay $0x4  }
0xc1: {  	[tilespmem:$0x4F80] =	vst @!p0 v2  }
0xc2: {  	v2 =	vld @!p0 [tilespmem:s25+$0x90];
	_ =	sdelay $0x4  }
0xc3: {  	v2 =	vadd.s32 @!p0 v0, v2  }
0xc4: {  	[tilespmem:$0x4F10] =	vst @!p0 v2  }
0xc5: {  	v2 =	vld @!p0 [tilespmem:s25+$0x2810];
	_ =	sdelay $0x4  }
0xc6: {  	[tilespmem:$0x4F90] =	vst @!p0 v2  }
0xc7: {  	v2 =	vld @!p0 [tilespmem:s25+$0xA0];
	_ =	sdelay $0x4  }
0xc8: {  	v2 =	vadd.s32 @!p0 v0, v2  }
0xc9: {  	[tilespmem:$0x4F20] =	vst @!p0 v2  }
0xca: {  	v2 =	vld @!p0 [tilespmem:s25+$0x2820];
	_ =	sdelay $0x4  }
0xcb: {  	[tilespmem:$0x4FA0] =	vst @!p0 v2  }
0xcc: {  	v2 =	vld @!p0 [tilespmem:s25+$0xB0];
	_ =	sdelay $0x4  }
0xcd: {  	v2 =	vadd.s32 @!p0 v0, v2  }
0xce: {  	[tilespmem:$0x4F30] =	vst @!p0 v2  }
0xcf: {  	v2 =	vld @!p0 [tilespmem:s25+$0x2830];
	_ =	sdelay $0x4  }
0xd0: {  	s28 =	simm.s32 @!p0 $0x5000;
	s26 =	simm.s32 @!p0 $0x4F00;
	s25 =	simm.s32 @!p0 $0x40;
	[tilespmem:$0x4FB0] =	vst @!p0 v2  }
0xd1: {  	[tilespmem:s28], [sflag:$0x1] =	stream.indirect.gather @!p0 [hbm4b:s4+s25], $0x80, s26, s25, $0xb8;
	[tilespmem:$0x1D100] =	vst v63  }
0xd2: {  	_ =	swait.ge [sflag:s22], $0x2000  }
0xd3: {  	[sflag:s22] =	ssyncset.done $0x0  }
0xd4: {  	[sflag:s22] =	ssyncadd.s32 $0xFFFFE000  }
0xd5: {  	[spmem:s2] =	stream.indirect.scatter.add.f32 [tilespmem:s19], [sflag:$0x3], $0x80, s23, s15, $0xb8;
	[tilespmem:$0x1D100] =	vst v63  }
0xd6: {  	_ =	swait.ge [sflag:s11], $0x2000  }
0xd7: {  	[sflag:s11] =	ssyncset.done $0x0  }
0xd8: {  	[sflag:s11] =	ssyncadd.s32 $0xFFFFE000  }
0xd9: {  	v2 =	vld [tilespmem:$0x2700];
	_ =	sdelay $0x4  }
0xda: {  	v2 =	vadd.s32 v0, v2  }
0xdb: {  	v3 =	vld [tilespmem:$0x4E80];
	_ =	sdelay $0x2  }
0xdc: {  	s30 =	simm.s32 $0x0  }
0xdd: {  	[tilespmem:s17], [sflag:$0x1] =	stream.indirect_vreg.gather [hbm4b:s4+s30], $0x80, v2, vm0, $0xb8;
	[tilespmem:$0x1D100] =	vst v63  }
0xde: {  	_ =	swait.ge [sflag:s20], $0x800  }
0xdf: {  	[sflag:s20] =	ssyncset.done $0x0  }
0xe0: {  	[sflag:s20] =	ssyncadd.s32 $0xFFFFF800  }
0xe1: {  	[spmem:s2] =	stream.indirect_vreg.scatter.add.f32 [tilespmem:s17], [sflag:$0x3], $0x80, v3, vm0, $0xb8;
	[tilespmem:$0x1D100] =	vst v63  }
0xe2: {  	_ =	swait.ge [sflag:s11], $0x800  }
0xe3: {  	[sflag:s11] =	ssyncset.done $0x0  }
0xe4: {  	[sflag:s11] =	ssyncadd.s32 $0xFFFFF800  }
0xe5: {  	[bflag:$0x0] =	sbarrier.arrive $0xFFFF  }
0xe6: {  	[hbm:s8], [sflag:s13] =	dma.local [spmem:s14], $0x2800  }
0xe7: {  	_ =	swait.ge [sflag:s11], $0x2800  }
0xe8: {  	[sflag:s11] =	ssyncset.done $0x0  }
0xe9: {  	[sflag:s11] =	ssyncadd.s32 $0xFFFFD800  }
0xea: {  	[bflag:$0x0] =	sbarrier.arrive $0xFFFF  }
0xeb: {  	[spmem:s14], [sflag:s13] =	dma.local [hbm:s7], $0x2800  }
0xec: {  	_ =	swait.ge [sflag:s11], $0x2800  }
0xed: {  	[sflag:s11] =	ssyncset.done $0x0  }
0xee: {  	[sflag:s11] =	ssyncadd.s32 $0xFFFFD800  }
0xef: {  	[bflag:$0x0] =	sbarrier.arrive $0xFFFF  }
0xf0: {  	v2 =	vld [tilespmem:$0x0]  }
0xf1: {  	v3 =	vld [tilespmem:$0x2780]  }
0xf2: {  	v4 =	vld [tilespmem:$0x10];
	_ =	sdelay $0x1  }
0xf3: {  	v5 =	vld [tilespmem:$0x2790]  }
0xf4: {  	v6 =	vld [tilespmem:$0x20]  }
0xf5: {  	v7 =	vld [tilespmem:$0x27A0];
	v2 =	vadd.s32 v1, v2;
	[tilespmem:$0x4F80] =	vst v3  }
0xf6: {  	v3 =	vadd.s32 v1, v4;
	[tilespmem:$0x4F00] =	vst v2;
	v2 =	vld [tilespmem:$0x30]  }
0xf7: {  	[tilespmem:$0x4F10] =	vst v3;
	v3 =	vld [tilespmem:$0x27B0];
	_ =	sdelay $0x1  }
0xf8: {  	[tilespmem:$0x4F90] =	vst v5  }
0xf9: {  	v63 =	vadd.s32 v1, v6;
	[tilespmem:$0x4FA0] =	vst v7  }
0xfa: {  	[tilespmem:$0x4F20] =	vst v63  }
0xfb: {  	v2 =	vadd.s32 v1, v2;
	[tilespmem:$0x4FB0] =	vst v3  }
0xfc: {  	s31 =	simm.s32 $0x0;
	[tilespmem:$0x4F30] =	vst v2  }
0xfd: {  	[tilespmem:s17], [sflag:$0x1] =	stream.indirect.gather [hbm4b:s4+s15], $0x80, s16, s15, $0xb8;
	[tilespmem:$0x1D100] =	vst v63  }
0xfe: {  	v2 =	vld [tilespmem:s31+$0x40];
	_ =	sdelay $0x4  }
0xff: {  	v2 =	vadd.s32 v1, v2  }
0x100: {  	[tilespmem:$0x7000] =	vst v2  }
0x101: {  	v2 =	vld [tilespmem:s31+$0x27C0];
	_ =	sdelay $0x4  }
0x102: {  	[tilespmem:$0x7080] =	vst v2  }
0x103: {  	v2 =	vld [tilespmem:s31+$0x50];
	_ =	sdelay $0x4  }
0x104: {  	v2 =	vadd.s32 v1, v2  }
0x105: {  	[tilespmem:$0x7010] =	vst v2  }
0x106: {  	v2 =	vld [tilespmem:s31+$0x27D0];
	_ =	sdelay $0x4  }
0x107: {  	[tilespmem:$0x7090] =	vst v2  }
0x108: {  	v2 =	vld [tilespmem:s31+$0x60];
	_ =	sdelay $0x4  }
0x109: {  	v2 =	vadd.s32 v1, v2  }
0x10a: {  	[tilespmem:$0x7020] =	vst v2  }
0x10b: {  	v2 =	vld [tilespmem:s31+$0x27E0];
	_ =	sdelay $0x4  }
0x10c: {  	[tilespmem:$0x70A0] =	vst v2  }
0x10d: {  	v2 =	vld [tilespmem:s31+$0x70];
	_ =	sdelay $0x4  }
0x10e: {  	v2 =	vadd.s32 v1, v2  }
0x10f: {  	[tilespmem:$0x7030] =	vst v2  }
0x110: {  	v2 =	vld [tilespmem:s31+$0x27F0];
	_ =	sdelay $0x4  }
0x111: {  	[tilespmem:$0x70B0] =	vst v2  }
0x112: {  	[tilespmem:s19], [sflag:$0x2] =	stream.indirect.gather [hbm4b:s4+s15], $0x80, s18, s15, $0xb8;
	[tilespmem:$0x1D100] =	vst v63  }
0x113: {  	_ =	swait.ge [sflag:s20], $0x2000  }
0x114: {  	[sflag:s20] =	ssyncset.done $0x0  }
0x115: {  	[sflag:s20] =	ssyncadd.s32 $0xFFFFE000  }
0x116: {  	[spmem:s2] =	stream.indirect.scatter.add.f32 [tilespmem:s17], [sflag:$0x3], $0x80, s21, s15, $0xb8;
	[tilespmem:$0x1D100] =	vst v63  }
0x117: {  	_ =	swait.ge [sflag:s11], $0x2000  }
0x118: {  	p0 =	por $0x0, $0x0;
	[sflag:s11] =	ssyncset.done $0x0  }
0x119: {  	s25 =	simm.s32 @!p0 $0x0;
	[sflag:s11] =	ssyncadd.s32 $0xFFFFE000  }
0x11a: {  	v2 =	vld @!p0 [tilespmem:s25+$0x80];
	_ =	sdelay $0x4  }
0x11b: {  	v2 =	vadd.s32 @!p0 v1, v2  }
0x11c: {  	[tilespmem:$0x4F00] =	vst @!p0 v2  }
0x11d: {  	v2 =	vld @!p0 [tilespmem:s25+$0x2800];
	_ =	sdelay $0x4  }
0x11e: {  	[tilespmem:$0x4F80] =	vst @!p0 v2  }
0x11f: {  	v2 =	vld @!p0 [tilespmem:s25+$0x90];
	_ =	sdelay $0x4  }
0x120: {  	v2 =	vadd.s32 @!p0 v1, v2  }
0x121: {  	[tilespmem:$0x4F10] =	vst @!p0 v2  }
0x122: {  	v2 =	vld @!p0 [tilespmem:s25+$0x2810];
	_ =	sdelay $0x4  }
0x123: {  	[tilespmem:$0x4F90] =	vst @!p0 v2  }
0x124: {  	v2 =	vld @!p0 [tilespmem:s25+$0xA0];
	_ =	sdelay $0x4  }
0x125: {  	v2 =	vadd.s32 @!p0 v1, v2  }
0x126: {  	[tilespmem:$0x4F20] =	vst @!p0 v2  }
0x127: {  	v2 =	vld @!p0 [tilespmem:s25+$0x2820];
	_ =	sdelay $0x4  }
0x128: {  	[tilespmem:$0x4FA0] =	vst @!p0 v2  }
0x129: {  	v2 =	vld @!p0 [tilespmem:s25+$0xB0];
	_ =	sdelay $0x4  }
0x12a: {  	v2 =	vadd.s32 @!p0 v1, v2  }
0x12b: {  	[tilespmem:$0x4F30] =	vst @!p0 v2  }
0x12c: {  	v2 =	vld @!p0 [tilespmem:s25+$0x2830];
	_ =	sdelay $0x4  }
0x12d: {  	s26 =	simm.s32 @!p0 $0x4F00;
	s28 =	simm.s32 @!p0 $0x5000;
	s25 =	simm.s32 @!p0 $0x40;
	[tilespmem:$0x4FB0] =	vst @!p0 v2  }
0x12e: {  	[tilespmem:s28], [sflag:$0x1] =	stream.indirect.gather @!p0 [hbm4b:s4+s25], $0x80, s26, s25, $0xb8;
	[tilespmem:$0x1D100] =	vst v63  }
0x12f: {  	_ =	swait.ge [sflag:s22], $0x2000  }
0x130: {  	[sflag:s22] =	ssyncset.done $0x0  }
0x131: {  	[sflag:s22] =	ssyncadd.s32 $0xFFFFE000  }
0x132: {  	[spmem:s2] =	stream.indirect.scatter.add.f32 [tilespmem:s19], [sflag:$0x3], $0x80, s23, s15, $0xb8;
	[tilespmem:$0x1D100] =	vst v63  }
0x133: {  	_ =	swait.ge [sflag:s11], $0x2000  }
0x134: {  	s25 =	simm.s32 $0x200;
	s26 =	simm.s32 $0x400;
	[sflag:s11] =	ssyncset.done $0x0  }
.LBB2_4:
0x135: {  	s29 =	sshra.s32 s25, $0x2  }
0x136: {  	[sflag:s11] =	ssyncadd.s32 $0xFFFFE000;
	s28 =	smov.u32 s26;
	s26 =	sadd.s32 $0x200, s26  }
0x137: {  	p0 =	sne.s32 s26, $0x9C00;
	v2 =	vld [tilespmem:s29+$0x40];
	_ =	sdelay $0x4  }
0x138: {  	v2 =	vadd.s32 v1, v2  }
0x139: {  	[tilespmem:$0x7000] =	vst v2  }
0x13a: {  	v2 =	vld [tilespmem:s29+$0x27C0];
	_ =	sdelay $0x4  }
0x13b: {  	[tilespmem:$0x7080] =	vst v2  }
0x13c: {  	v2 =	vld [tilespmem:s29+$0x50];
	_ =	sdelay $0x4  }
0x13d: {  	v2 =	vadd.s32 v1, v2  }
0x13e: {  	[tilespmem:$0x7010] =	vst v2  }
0x13f: {  	v2 =	vld [tilespmem:s29+$0x27D0];
	_ =	sdelay $0x4  }
0x140: {  	[tilespmem:$0x7090] =	vst v2  }
0x141: {  	v2 =	vld [tilespmem:s29+$0x60];
	_ =	sdelay $0x4  }
0x142: {  	v2 =	vadd.s32 v1, v2  }
0x143: {  	[tilespmem:$0x7020] =	vst v2  }
0x144: {  	v2 =	vld [tilespmem:s29+$0x27E0];
	_ =	sdelay $0x4  }
0x145: {  	[tilespmem:$0x70A0] =	vst v2  }
0x146: {  	v2 =	vld [tilespmem:s29+$0x70];
	_ =	sdelay $0x4  }
0x147: {  	v2 =	vadd.s32 v1, v2  }
0x148: {  	[tilespmem:$0x7030] =	vst v2  }
0x149: {  	v2 =	vld [tilespmem:s29+$0x27F0];
	_ =	sdelay $0x4  }
0x14a: {  	[tilespmem:$0x70B0] =	vst v2  }
0x14b: {  	[tilespmem:s19], [sflag:$0x2] =	stream.indirect.gather [hbm4b:s4+s15], $0x80, s18, s15, $0xb8;
	[tilespmem:$0x1D100] =	vst v63  }
0x14c: {  	_ =	swait.ge [sflag:s20], $0x2000  }
0x14d: {  	[sflag:s20] =	ssyncset.done $0x0  }
0x14e: {  	[sflag:s20] =	ssyncadd.s32 $0xFFFFE000  }
0x14f: {  	[spmem:s2] =	stream.indirect.scatter.add.f32 [tilespmem:s17], [sflag:$0x3], $0x80, s21, s15, $0xb8;
	[tilespmem:$0x1D100] =	vst v63  }
0x150: {  	_ =	swait.ge [sflag:s11], $0x2000  }
0x151: {  	p1 =	seq.s32 s25, $0x9A00;
	[sflag:s11] =	ssyncset.done $0x0  }
0x152: {  	s29 =	sshra.s32 @!p1 s25, $0x2;
	s25 =	smov.u32 s28;
	[sflag:s11] =	ssyncadd.s32 $0xFFFFE000  }
0x153: {  	v2 =	vld @!p1 [tilespmem:s29+$0x80];
	_ =	sdelay $0x4  }
0x154: {  	v2 =	vadd.s32 @!p1 v1, v2  }
0x155: {  	[tilespmem:$0x4F00] =	vst @!p1 v2  }
0x156: {  	v2 =	vld @!p1 [tilespmem:s29+$0x2800];
	_ =	sdelay $0x4  }
0x157: {  	[tilespmem:$0x4F80] =	vst @!p1 v2  }
0x158: {  	v2 =	vld @!p1 [tilespmem:s29+$0x90];
	_ =	sdelay $0x4  }
0x159: {  	v2 =	vadd.s32 @!p1 v1, v2  }
0x15a: {  	[tilespmem:$0x4F10] =	vst @!p1 v2  }
0x15b: {  	v2 =	vld @!p1 [tilespmem:s29+$0x2810];
	_ =	sdelay $0x4  }
0x15c: {  	[tilespmem:$0x4F90] =	vst @!p1 v2  }
0x15d: {  	v2 =	vld @!p1 [tilespmem:s29+$0xA0];
	_ =	sdelay $0x4  }
0x15e: {  	v2 =	vadd.s32 @!p1 v1, v2  }
0x15f: {  	[tilespmem:$0x4F20] =	vst @!p1 v2  }
0x160: {  	v2 =	vld @!p1 [tilespmem:s29+$0x2820];
	_ =	sdelay $0x4  }
0x161: {  	[tilespmem:$0x4FA0] =	vst @!p1 v2  }
0x162: {  	v2 =	vld @!p1 [tilespmem:s29+$0xB0];
	_ =	sdelay $0x4  }
0x163: {  	v2 =	vadd.s32 @!p1 v1, v2  }
0x164: {  	[tilespmem:$0x4F30] =	vst @!p1 v2  }
0x165: {  	v2 =	vld @!p1 [tilespmem:s29+$0x2830];
	_ =	sdelay $0x4  }
0x166: {  	s30 =	simm.s32 @!p1 $0x5000;
	s28 =	simm.s32 @!p1 $0x40;
	s29 =	simm.s32 @!p1 $0x4F00;
	[tilespmem:$0x4FB0] =	vst @!p1 v2  }
0x167: {  	[tilespmem:s30], [sflag:$0x1] =	stream.indirect.gather @!p1 [hbm4b:s4+s28], $0x80, s29, s28, $0xb8;
	[tilespmem:$0x1D100] =	vst v63  }
0x168: {  	_ =	swait.ge [sflag:s22], $0x2000  }
.Ltmp1:
0x169: {  	[sflag:s22] =	ssyncset.done $0x0;
	(pc) =	sbr.rel @p0 .LBB2_4-.Ltmp1, $4  }
0x16a: {  	[sflag:s22] =	ssyncadd.s32 $0xFFFFE000  }
0x16b: {  	[spmem:s2] =	stream.indirect.scatter.add.f32 [tilespmem:s19], [sflag:$0x3], $0x80, s23, s15, $0xb8;
	[tilespmem:$0x1D100] =	vst v63  }
0x16c: {  	_ =	swait.ge [sflag:s11], $0x2000  }
0x16d: {  	[sflag:s11] =	ssyncset.done $0x0  }
0x16e: {  	s26 =	sshra.s32 s25, $0x2;
	[sflag:s11] =	ssyncadd.s32 $0xFFFFE000  }
0x16f: {  	v2 =	vld [tilespmem:s26+$0x40];
	_ =	sdelay $0x4  }
0x170: {  	v2 =	vadd.s32 v1, v2  }
0x171: {  	[tilespmem:$0x7000] =	vst v2  }
0x172: {  	v2 =	vld [tilespmem:s26+$0x27C0];
	_ =	sdelay $0x4  }
0x173: {  	[tilespmem:$0x7080] =	vst v2  }
0x174: {  	v2 =	vld [tilespmem:s26+$0x50];
	_ =	sdelay $0x4  }
0x175: {  	v2 =	vadd.s32 v1, v2  }
0x176: {  	[tilespmem:$0x7010] =	vst v2  }
0x177: {  	v2 =	vld [tilespmem:s26+$0x27D0];
	_ =	sdelay $0x4  }
0x178: {  	[tilespmem:$0x7090] =	vst v2  }
0x179: {  	v2 =	vld [tilespmem:s26+$0x60];
	_ =	sdelay $0x4  }
0x17a: {  	v2 =	vadd.s32 v1, v2  }
0x17b: {  	[tilespmem:$0x7020] =	vst v2  }
0x17c: {  	v2 =	vld [tilespmem:s26+$0x27E0];
	_ =	sdelay $0x4  }
0x17d: {  	[tilespmem:$0x70A0] =	vst v2  }
0x17e: {  	v2 =	vld [tilespmem:s26+$0x70];
	_ =	sdelay $0x4  }
0x17f: {  	v2 =	vadd.s32 v1, v2  }
0x180: {  	[tilespmem:$0x7030] =	vst v2  }
0x181: {  	v2 =	vld [tilespmem:s26+$0x27F0];
	_ =	sdelay $0x4  }
0x182: {  	[tilespmem:$0x70B0] =	vst v2  }
0x183: {  	[tilespmem:s19], [sflag:$0x2] =	stream.indirect.gather [hbm4b:s4+s15], $0x80, s18, s15, $0xb8;
	[tilespmem:$0x1D100] =	vst v63  }
0x184: {  	_ =	swait.ge [sflag:s20], $0x2000  }
0x185: {  	[sflag:s20] =	ssyncset.done $0x0  }
0x186: {  	[sflag:s20] =	ssyncadd.s32 $0xFFFFE000  }
0x187: {  	[spmem:s2] =	stream.indirect.scatter.add.f32 [tilespmem:s17], [sflag:$0x3], $0x80, s21, s15, $0xb8;
	[tilespmem:$0x1D100] =	vst v63  }
0x188: {  	_ =	swait.ge [sflag:s11], $0x2000  }
0x189: {  	p0 =	seq.s32 s25, $0x9A00;
	[sflag:s11] =	ssyncset.done $0x0  }
0x18a: {  	s25 =	sshra.s32 @!p0 s25, $0x2;
	[sflag:s11] =	ssyncadd.s32 $0xFFFFE000  }
0x18b: {  	v2 =	vld @!p0 [tilespmem:s25+$0x80];
	_ =	sdelay $0x4  }
0x18c: {  	v2 =	vadd.s32 @!p0 v1, v2  }
0x18d: {  	[tilespmem:$0x4F00] =	vst @!p0 v2  }
0x18e: {  	v2 =	vld @!p0 [tilespmem:s25+$0x2800];
	_ =	sdelay $0x4  }
0x18f: {  	[tilespmem:$0x4F80] =	vst @!p0 v2  }
0x190: {  	v2 =	vld @!p0 [tilespmem:s25+$0x90];
	_ =	sdelay $0x4  }
0x191: {  	v2 =	vadd.s32 @!p0 v1, v2  }
0x192: {  	[tilespmem:$0x4F10] =	vst @!p0 v2  }
0x193: {  	v2 =	vld @!p0 [tilespmem:s25+$0x2810];
	_ =	sdelay $0x4  }
0x194: {  	[tilespmem:$0x4F90] =	vst @!p0 v2  }
0x195: {  	v2 =	vld @!p0 [tilespmem:s25+$0xA0];
	_ =	sdelay $0x4  }
0x196: {  	v2 =	vadd.s32 @!p0 v1, v2  }
0x197: {  	[tilespmem:$0x4F20] =	vst @!p0 v2  }
0x198: {  	v2 =	vld @!p0 [tilespmem:s25+$0x2820];
	_ =	sdelay $0x4  }
0x199: {  	[tilespmem:$0x4FA0] =	vst @!p0 v2  }
0x19a: {  	v2 =	vld @!p0 [tilespmem:s25+$0xB0];
	_ =	sdelay $0x4  }
0x19b: {  	v2 =	vadd.s32 @!p0 v1, v2  }
0x19c: {  	[tilespmem:$0x4F30] =	vst @!p0 v2  }
0x19d: {  	v2 =	vld @!p0 [tilespmem:s25+$0x2830];
	_ =	sdelay $0x4  }
0x19e: {  	s28 =	simm.s32 @!p0 $0x5000;
	s26 =	simm.s32 @!p0 $0x4F00;
	s25 =	simm.s32 @!p0 $0x40;
	[tilespmem:$0x4FB0] =	vst @!p0 v2  }
0x19f: {  	[tilespmem:s28], [sflag:$0x1] =	stream.indirect.gather @!p0 [hbm4b:s4+s25], $0x80, s26, s25, $0xb8;
	[tilespmem:$0x1D100] =	vst v63  }
0x1a0: {  	_ =	swait.ge [sflag:s22], $0x2000  }
0x1a1: {  	[sflag:s22] =	ssyncset.done $0x0  }
0x1a2: {  	[sflag:s22] =	ssyncadd.s32 $0xFFFFE000  }
0x1a3: {  	[spmem:s2] =	stream.indirect.scatter.add.f32 [tilespmem:s19], [sflag:$0x3], $0x80, s23, s15, $0xb8;
	[tilespmem:$0x1D100] =	vst v63  }
0x1a4: {  	_ =	swait.ge [sflag:s11], $0x2000  }
0x1a5: {  	[sflag:s11] =	ssyncset.done $0x0  }
0x1a6: {  	[sflag:s11] =	ssyncadd.s32 $0xFFFFE000  }
0x1a7: {  	v2 =	vld [tilespmem:$0x2700];
	_ =	sdelay $0x4  }
0x1a8: {  	v2 =	vadd.s32 v1, v2  }
0x1a9: {  	v3 =	vld [tilespmem:$0x4E80];
	_ =	sdelay $0x3  }
0x1aa: {  	[tilespmem:s17], [sflag:$0x1] =	stream.indirect_vreg.gather [hbm4b:s4+s3], $0x80, v2, vm0, $0xb8;
	[tilespmem:$0x1D100] =	vst v63  }
0x1ab: {  	_ =	swait.ge [sflag:s20], $0x800  }
0x1ac: {  	[sflag:s20] =	ssyncset.done $0x0  }
0x1ad: {  	[sflag:s20] =	ssyncadd.s32 $0xFFFFF800  }
0x1ae: {  	[spmem:s2] =	stream.indirect_vreg.scatter.add.f32 [tilespmem:s17], [sflag:$0x3], $0x80, v3, vm0, $0xb8;
	[tilespmem:$0x1D100] =	vst v63  }
0x1af: {  	_ =	swait.ge [sflag:s11], $0x800  }
0x1b0: {  	[sflag:s11] =	ssyncset.done $0x0  }
0x1b1: {  	s24 =	sadd.s32 $0x1, s24;
	[sflag:s11] =	ssyncadd.s32 $0xFFFFF800  }
0x1b2: {  	p0 =	sne.s32 s24, s10;
	[bflag:$0x0] =	sbarrier.arrive $0xFFFF  }
0x1b3: {  	[hbm:s9], [sflag:s13] =	dma.local [spmem:s14], $0x2800  }
.Ltmp2:
0x1b4: {  	_ =	swait.ge [sflag:s11], $0x2800;
	(pc) =	sbr.rel @p0 .LBB2_1-.Ltmp2, $3  }
0x1b5: {  	[sflag:s11] =	ssyncset.done $0x0  }
0x1b6: {  	[sflag:s11] =	ssyncadd.s32 $0xFFFFD800  }
0x1b7: {  	[bflag:$0x0] =	sbarrier.arrive $0xFFFF;
	_ =	sdelay $0x1  }
0x1b8: {  	_ =	sfence.sel $0x180000  }
0x1b9: {  	[bflag:$0x0] =	sbarrier.arrive $0xFFFF  }
0x1ba: {  	p0 =	sne.s32 s1, $0x0;
	_ =	strace $0x90000047  }
0x1bb: {  	s0 =	sadd.s32 @!p0 $0x100000, s0;
	[bflag:$0x2] =	sbarrier.arrive $0xFFFF  }
0x1bc: {  	[sflag:s0] =	ssyncadd.tile.s32 @!p0 $0x1;
	_ =	shalt  }
.Lfunc_end2:
_tile_overlayer_lowered:
.L_overlay_start_2:
0x1bd: {  	(tag) =	ssettag $0x2  }
0x1be: {  	s0 =	rddreg [dreg:$0x0];
	s2 =	stileid.u32  }
0x1bf: {  	s1 =	rddreg [dreg:$0x1];
	p0 =	sne.s32 s2, $0x0  }
0x1c0: {  	s3 =	rddreg [dreg:$0x2];
	[bflag:$0x3] =	sbarrier.arrive $0xFFFF;
	s2 =	simm.s32 @!p0 $0x1C03  }
0x1c1: {  	[timem:s3], [sflag:s2] =	dma.local @!p0 [hbm:s0], s1  }
0x1c2: {  	s0 =	simm.s32 @!p0 $0x3  }
0x1c3: {  	_ =	swait.ge @!p0 [sflag:s0], s1  }
0x1c4: {  	s1 =	ssub.s32 @!p0 $0x0, s1;
	[sflag:s0] =	ssyncset.done @!p0 $0x0  }
0x1c5: {  	[sflag:s0] =	ssyncadd.s32 @!p0 s1  }
0x1c6: {  	[bflag:$0x3] =	sbarrier.arrive $0xFFFF  }
0x1c7: {  	_ =	shalt  }

</sc_bundles>
